<compile_context>
chip_gen: v7x
topology: tpu7x:2x2x1
jax: 0.10.2.dev20260603
libtpu: 0.0.44.dev20260713+nightly
codegen_flags: <defaults>
</compile_context>

<pallas_src>
import functools

import jax
import jax.numpy as jnp
from jax import lax
from jax.experimental import pallas as pl
from jax.experimental.pallas import tpu as pltpu
from jax.experimental.pallas import tpu_sc as plsc

N = 10000
D = 128
E = 320000
NC = 2
NS = 16
NW = NC * NS
EPW = E // NW
CH = 80
NCHUNK = EPW // CH
RPS = 624
RTAIL = N - NS * RPS

_BLK = 2000



def _dual_mm_body(x_ref, wa_ref, wb_ref, a_ref, b_ref):
    x = x_ref[...]
    a_ref[...] = lax.dot_general(
        x, wa_ref[...], (((1,), (1,)), ((), ())),
        preferred_element_type=jnp.float32)
    b_ref[...] = lax.dot_general(
        x, wb_ref[...], (((1,), (1,)), ((), ())),
        preferred_element_type=jnp.float32)


def _dual_matmul_t(x, wa, wb):
    return pl.pallas_call(
        _dual_mm_body,
        grid=(N // _BLK,),
        in_specs=[pl.BlockSpec((_BLK, D), lambda i: (i, 0)),
                  pl.BlockSpec((D, D), lambda i: (0, 0)),
                  pl.BlockSpec((D, D), lambda i: (0, 0))],
        out_specs=[pl.BlockSpec((_BLK, D), lambda i: (i, 0)),
                   pl.BlockSpec((_BLK, D), lambda i: (i, 0))],
        out_shape=[jax.ShapeDtypeStruct((N, D), jnp.float32),
                   jax.ShapeDtypeStruct((N, D), jnp.float32)],
    )(x, wa, wb)


def _mid_body(agg_ref, r_ref, b_ref, wrel2_ref, wroot2_ref, y2_ref, r2_ref):
    h = jnp.maximum(agg_ref[0] + agg_ref[1] + b_ref[...] + r_ref[...], 0.0)
    y2_ref[...] = lax.dot_general(
        h, wrel2_ref[...], (((1,), (1,)), ((), ())),
        preferred_element_type=jnp.float32)
    r2_ref[...] = lax.dot_general(
        h, wroot2_ref[...], (((1,), (1,)), ((), ())),
        preferred_element_type=jnp.float32)


def _mid_stage(aggp, r, b, wrel2, wroot2):
    return pl.pallas_call(
        _mid_body,
        grid=(N // _BLK,),
        in_specs=[pl.BlockSpec((2, _BLK, D), lambda i: (0, i, 0)),
                  pl.BlockSpec((_BLK, D), lambda i: (i, 0)),
                  pl.BlockSpec((1, D), lambda i: (0, 0)),
                  pl.BlockSpec((D, D), lambda i: (0, 0)),
                  pl.BlockSpec((D, D), lambda i: (0, 0))],
        out_specs=[pl.BlockSpec((_BLK, D), lambda i: (i, 0)),
                   pl.BlockSpec((_BLK, D), lambda i: (i, 0))],
        out_shape=[jax.ShapeDtypeStruct((N, D), jnp.float32),
                   jax.ShapeDtypeStruct((N, D), jnp.float32)],
    )(aggp, r, b, wrel2, wroot2)


def _final_body(agg_ref, r_ref, b_ref, o_ref):
    o_ref[...] = agg_ref[0] + agg_ref[1] + b_ref[...] + r_ref[...]


def _final_stage(aggp, r, b):
    return pl.pallas_call(
        _final_body,
        grid=(N // _BLK,),
        in_specs=[pl.BlockSpec((2, _BLK, D), lambda i: (0, i, 0)),
                  pl.BlockSpec((_BLK, D), lambda i: (i, 0)),
                  pl.BlockSpec((1, D), lambda i: (0, 0))],
        out_specs=pl.BlockSpec((_BLK, D), lambda i: (i, 0)),
        out_shape=jax.ShapeDtypeStruct((N, D), jnp.float32),
    )(aggp, r, b)



def _sc_segment_sum(y, src, dst, zeros):
    mesh = plsc.VectorSubcoreMesh(core_axis_name="c", subcore_axis_name="s")

    @functools.partial(
        pl.kernel, mesh=mesh,
        out_type=jax.ShapeDtypeStruct((NC, N, D), jnp.float32),
        scratch_types=[
            pltpu.VMEM((EPW,), jnp.int32),
            pltpu.VMEM((NCHUNK, CH), jnp.int32),
            pltpu.VMEM((CH, D), jnp.float32),
            pltpu.VMEM((CH, D), jnp.float32),
            pltpu.VMEM_SHARED((N, D), jnp.float32),
            pltpu.SemaphoreType.DMA,
            pltpu.SemaphoreType.DMA,
            pltpu.SemaphoreType.DMA,
        ],
    )
    def scat(y_hbm, src_hbm, dst_hbm, zero_hbm, out_hbm,
             src_v, dst_v, rows0, rows1, acc, sem0, sem1, semp):
        c = lax.axis_index("c")
        s = lax.axis_index("s")
        wid = s * NC + c
        cp_src = pltpu.async_copy(src_hbm.at[wid], src_v, semp)
        cp_dst = pltpu.async_copy(dst_hbm.at[wid], dst_v, semp)
        cp_z = pltpu.async_copy(zero_hbm.at[pl.ds(s * RPS, RPS)],
                                acc.at[pl.ds(s * RPS, RPS)], semp)

        @pl.when(s == 0)
        def _():
            pltpu.async_copy(zero_hbm.at[pl.ds(NS * RPS, RTAIL)],
                             acc.at[pl.ds(NS * RPS, RTAIL)], semp).wait()

        cp_src.wait()
        pltpu.async_copy(y_hbm.at[src_v.at[pl.ds(0, CH)]], rows0, sem0)
        pltpu.async_copy(y_hbm.at[src_v.at[pl.ds(CH, CH)]], rows1, sem1)
        cp_dst.wait()
        cp_z.wait()
        plsc.subcore_barrier()


        @pl.loop(0, NCHUNK - 1, step=2)
        def _(j):
            pltpu.make_async_copy(
                y_hbm.at[src_v.at[pl.ds(j * CH, CH)]], rows0, sem0).wait()
            pltpu.sync_copy(rows0, acc.at[dst_v.at[j]], add=True)
            pltpu.async_copy(
                y_hbm.at[src_v.at[pl.ds((j + 2) * CH, CH)]], rows0, sem0)
            pltpu.make_async_copy(
                y_hbm.at[src_v.at[pl.ds((j + 1) * CH, CH)]], rows1, sem1).wait()
            pltpu.sync_copy(rows1, acc.at[dst_v.at[j + 1]], add=True)

            @pl.when(j + 3 < NCHUNK)
            def _():
                pltpu.async_copy(
                    y_hbm.at[src_v.at[pl.ds((j + 3) * CH, CH)]], rows1, sem1)

        pltpu.make_async_copy(
            y_hbm.at[src_v.at[pl.ds((NCHUNK - 1) * CH, CH)]],
            rows0, sem0).wait()
        pltpu.sync_copy(rows0, acc.at[dst_v.at[NCHUNK - 1]], add=True)

        plsc.subcore_barrier()
        pltpu.sync_copy(acc.at[pl.ds(s * RPS, RPS)],
                        out_hbm.at[c].at[pl.ds(s * RPS, RPS)])

        @pl.when(s == 0)
        def _():
            pltpu.sync_copy(acc.at[pl.ds(NS * RPS, RTAIL)],
                            out_hbm.at[c].at[pl.ds(NS * RPS, RTAIL)])

    return scat(y, src, dst, zeros)



def kernel(x, edge_index, W1_rel, b1_rel, W1_root, W2_rel, b2_rel, W2_root):
    ei = edge_index.astype(jnp.int32)
    src = ei[0].reshape(NW, EPW)
    dst = ei[1].reshape(NW, NCHUNK, CH)
    zeros = jnp.zeros((N, D), jnp.float32)
    b1 = b1_rel.reshape(1, D)
    b2 = b2_rel.reshape(1, D)

    y1, r1 = _dual_matmul_t(x, W1_rel, W1_root)
    agg1 = _sc_segment_sum(y1, src, dst, zeros)
    y2, r2 = _mid_stage(agg1, r1, b1, W2_rel, W2_root)
    agg2 = _sc_segment_sum(y2, src, dst, zeros)
    out = _final_stage(agg2, r2, b2)
    return out

# --- scband reference (transcript-rebuilt; emitter-appended) ---
"""Pipeline reference for scband-gcn-13134009991660 (READ-ONLY COPY).

The authoritative reference and input builder live on the scoring server;
editing this copy changes nothing except your own understanding.
"""

import jax, jax.numpy as jnp
import numpy as np

N_NODES = 10000
D = 128
N_EDGES = 320000


def setup_inputs(seed: int = 0) -> dict:
    key = jax.random.key(seed)
    k1, k2, k3, k4, k5, k6, k7, k8 = jax.random.split(key, 8)
    x = jax.random.normal(k1, (N_NODES, D), dtype=jnp.float32)
    edge_index = jax.random.randint(k2, (2, N_EDGES), 0, N_NODES, dtype=jnp.int64)
    s = 1.0 / np.sqrt(D)
    W1_rel = jax.random.uniform(k3, (D, D), dtype=jnp.float32, minval=-s, maxval=s)
    b1_rel = jax.random.uniform(k4, (D,), dtype=jnp.float32, minval=-s, maxval=s)
    W1_root = jax.random.uniform(k5, (D, D), dtype=jnp.float32, minval=-s, maxval=s)
    W2_rel = jax.random.uniform(k6, (D, D), dtype=jnp.float32, minval=-s, maxval=s)
    b2_rel = jax.random.uniform(k7, (D,), dtype=jnp.float32, minval=-s, maxval=s)
    W2_root = jax.random.uniform(k8, (D, D), dtype=jnp.float32, minval=-s, maxval=s)
    return {"x": x, "edge_index": edge_index, "W1_rel": W1_rel, "b1_rel": b1_rel,
            "W1_root": W1_root, "W2_rel": W2_rel, "b2_rel": b2_rel, "W2_root": W2_root}


def _graph_conv(x, edge_index, W_rel, b_rel, W_root):
    # torch_geometric GraphConv: out = lin_rel(sum_{j in N(i)} x_j) + lin_root(x_i)
    src = edge_index[0]
    dst = edge_index[1]
    msgs = jnp.take(x, src, axis=0)
    agg = jax.ops.segment_sum(msgs, dst, num_segments=N_NODES)
    return agg @ W_rel.T + b_rel + x @ W_root.T


def reference(x, edge_index, W1_rel, b1_rel, W1_root, W2_rel, b2_rel, W2_root):
    h = _graph_conv(x, edge_index, W1_rel, b1_rel, W1_root)
    h = jax.nn.relu(h)
    out = _graph_conv(h, edge_index, W2_rel, b2_rel, W2_root)
    return out

if __name__ == "__main__":
    import jax
    _d = setup_inputs()
    print(jax.jit(kernel)(*tuple(_d.values())))

</pallas_src>

<mosaic_0001>
#map = affine_map<(d0, d1) -> (0, 0)>
#map1 = affine_map<(d0, d1) -> (0, 0, 0)>
module attributes {stable_mosaic.version = 14 : i64} {
  func.func @scat(%arg0: i32, %arg1: i32, %arg2: memref<10000x128xf32, #tpu.memory_space<hbm>>, %arg3: memref<32x10000xi32, #tpu.memory_space<hbm>>, %arg4: memref<32x125x80xi32, #tpu.memory_space<hbm>>, %arg5: memref<10000x128xf32, #tpu.memory_space<hbm>>, %arg6: memref<2x10000x128xf32, #tpu.memory_space<hbm>>, %arg7: memref<10000xi32, #tpu.memory_space<vmem>>, %arg8: memref<125x80xi32, #tpu.memory_space<vmem>>, %arg9: memref<80x128xf32, #tpu.memory_space<vmem>>, %arg10: memref<80x128xf32, #tpu.memory_space<vmem>>, %arg11: memref<10000x128xf32, #tpu.memory_space<vmem_shared>>, %arg12: memref<!tpu.dma_semaphore, #tpu.memory_space<semaphore_mem>>, %arg13: memref<!tpu.dma_semaphore, #tpu.memory_space<semaphore_mem>>, %arg14: memref<!tpu.dma_semaphore, #tpu.memory_space<semaphore_mem>>) attributes {dimension_semantics = [#tpu.dimension_semantics<core_parallel>, #tpu.dimension_semantics<subcore_parallel>], iteration_bounds = array<i64: 2, 16>, scalar_prefetch = 0 : i64, scratch_operands = 8 : i64, tpu.core_type = #tpu.core_type<sc_vector_subcore>, window_params = [{transform_indices = #map}, {transform_indices = #map}, {transform_indices = #map1}, {transform_indices = #map}, {transform_indices = #map1}]} {
    %mul3A = arith.constant 2 : i32
    %mul3A_0 = arith.muli %arg1, %mul3A : i32
    %add3A = arith.addi %mul3A_0, %arg0 : i32
    %dma_start3A = arith.constant 0 : i32
    %dma_start3A_1 = tpu.memref_slice %arg3[%add3A, %dma_start3A] : memref<32x10000xi32, #tpu.memory_space<hbm>> -> memref<1x10000xi32, #tpu.memory_space<hbm>>
    %dma_start3A_2 = tpu.memref_squeeze %dma_start3A_1 : memref<1x10000xi32, #tpu.memory_space<hbm>> -> memref<10000xi32, #tpu.memory_space<hbm>>
    %dma_start3A_3 = arith.constant 0 : i32
    %dma_start3A_4 = tpu.memref_slice %arg3[%add3A, %dma_start3A_3] : memref<32x10000xi32, #tpu.memory_space<hbm>> -> memref<1x10000xi32, #tpu.memory_space<hbm>>
    %dma_start3A_5 = tpu.memref_squeeze %dma_start3A_4 : memref<1x10000xi32, #tpu.memory_space<hbm>> -> memref<10000xi32, #tpu.memory_space<hbm>>
    tpu.enqueue_dma source(%dma_start3A_5 : memref<10000xi32, #tpu.memory_space<hbm>>) target(%arg7 : memref<10000xi32, #tpu.memory_space<vmem>>) target_semaphore(%arg14 : memref<!tpu.dma_semaphore, #tpu.memory_space<semaphore_mem>>)
    %dma_start3A_6 = arith.constant 0 : i32
    %dma_start3A_7 = arith.constant 0 : i32
    %dma_start3A_8 = tpu.memref_slice %arg4[%add3A, %dma_start3A_6, %dma_start3A_7] : memref<32x125x80xi32, #tpu.memory_space<hbm>> -> memref<1x125x80xi32, #tpu.memory_space<hbm>>
    %dma_start3A_9 = tpu.memref_squeeze %dma_start3A_8 : memref<1x125x80xi32, #tpu.memory_space<hbm>> -> memref<125x80xi32, #tpu.memory_space<hbm>>
    %dma_start3A_10 = arith.constant 0 : i32
    %dma_start3A_11 = arith.constant 0 : i32
    %dma_start3A_12 = tpu.memref_slice %arg4[%add3A, %dma_start3A_10, %dma_start3A_11] : memref<32x125x80xi32, #tpu.memory_space<hbm>> -> memref<1x125x80xi32, #tpu.memory_space<hbm>>
    %dma_start3A_13 = tpu.memref_squeeze %dma_start3A_12 : memref<1x125x80xi32, #tpu.memory_space<hbm>> -> memref<125x80xi32, #tpu.memory_space<hbm>>
    tpu.enqueue_dma source(%dma_start3A_13 : memref<125x80xi32, #tpu.memory_space<hbm>>) target(%arg8 : memref<125x80xi32, #tpu.memory_space<vmem>>) target_semaphore(%arg14 : memref<!tpu.dma_semaphore, #tpu.memory_space<semaphore_mem>>)
    %mul3A_14 = arith.constant 624 : i32
    %mul3A_15 = arith.muli %arg1, %mul3A_14 : i32
    %mul3A_16 = arith.constant 624 : i32
    %mul3A_17 = arith.muli %arg1, %mul3A_16 : i32
    %dma_start3A_18 = arith.constant 0 : i32
    %dma_start3A_19 = tpu.memref_slice %arg11[%mul3A_17, %dma_start3A_18] : memref<10000x128xf32, #tpu.memory_space<vmem_shared>> -> memref<624x128xf32, #tpu.memory_space<vmem_shared>>
    %dma_start3A_20 = arith.constant 0 : i32
    %dma_start3A_21 = tpu.memref_slice %arg5[%mul3A_15, %dma_start3A_20] : memref<10000x128xf32, #tpu.memory_space<hbm>> -> memref<624x128xf32, #tpu.memory_space<hbm>>
    tpu.enqueue_dma source(%dma_start3A_21 : memref<624x128xf32, #tpu.memory_space<hbm>>) target(%dma_start3A_19 : memref<624x128xf32, #tpu.memory_space<vmem_shared>>) target_semaphore(%arg14 : memref<!tpu.dma_semaphore, #tpu.memory_space<semaphore_mem>>)
    %eq3A = arith.constant 0 : i32
    %eq3A_22 = arith.cmpi eq, %arg1, %eq3A : i32
    %convert_element_type3A = arith.extui %eq3A_22 : i1 to i32
    %cond3A = arith.constant 0 : i32
    %cond3A_23 = arith.cmpi ne, %convert_element_type3A, %cond3A : i32
    scf.if %cond3A_23 {
      %dma_start3A_70 = arith.constant 9984 : i32
      %dma_start3A_71 = arith.constant 0 : i32
      %dma_start3A_72 = tpu.memref_slice %arg11[%dma_start3A_70, %dma_start3A_71] : memref<10000x128xf32, #tpu.memory_space<vmem_shared>> -> memref<16x128xf32, #tpu.memory_space<vmem_shared>>
      %dma_start3A_73 = arith.constant 9984 : i32
      %dma_start3A_74 = arith.constant 0 : i32
      %dma_start3A_75 = tpu.memref_slice %arg5[%dma_start3A_73, %dma_start3A_74] : memref<10000x128xf32, #tpu.memory_space<hbm>> -> memref<16x128xf32, #tpu.memory_space<hbm>>
      tpu.enqueue_dma source(%dma_start3A_75 : memref<16x128xf32, #tpu.memory_space<hbm>>) target(%dma_start3A_72 : memref<16x128xf32, #tpu.memory_space<vmem_shared>>) target_semaphore(%arg14 : memref<!tpu.dma_semaphore, #tpu.memory_space<semaphore_mem>>)
      %dma_wait3A_76 = arith.constant 9984 : i32
      %dma_wait3A_77 = arith.constant 0 : i32
      %dma_wait3A_78 = tpu.memref_slice %arg11[%dma_wait3A_76, %dma_wait3A_77] : memref<10000x128xf32, #tpu.memory_space<vmem_shared>> -> memref<16x128xf32, #tpu.memory_space<vmem_shared>>
      %dma_wait3A_79 = arith.constant 9984 : i32
      %dma_wait3A_80 = arith.constant 0 : i32
      %dma_wait3A_81 = tpu.memref_slice %arg5[%dma_wait3A_79, %dma_wait3A_80] : memref<10000x128xf32, #tpu.memory_space<hbm>> -> memref<16x128xf32, #tpu.memory_space<hbm>>
      tpu.wait_dma2 semaphore(%arg14 : memref<!tpu.dma_semaphore, #tpu.memory_space<semaphore_mem>>) src(%dma_wait3A_81 : memref<16x128xf32, #tpu.memory_space<hbm>>) dst(%dma_wait3A_78 : memref<16x128xf32, #tpu.memory_space<vmem_shared>>)
    } else {
    }
    %dma_wait3A = arith.constant 0 : i32
    %dma_wait3A_24 = tpu.memref_slice %arg3[%add3A, %dma_wait3A] : memref<32x10000xi32, #tpu.memory_space<hbm>> -> memref<1x10000xi32, #tpu.memory_space<hbm>>
    %dma_wait3A_25 = tpu.memref_squeeze %dma_wait3A_24 : memref<1x10000xi32, #tpu.memory_space<hbm>> -> memref<10000xi32, #tpu.memory_space<hbm>>
    %dma_wait3A_26 = arith.constant 0 : i32
    %dma_wait3A_27 = tpu.memref_slice %arg3[%add3A, %dma_wait3A_26] : memref<32x10000xi32, #tpu.memory_space<hbm>> -> memref<1x10000xi32, #tpu.memory_space<hbm>>
    %dma_wait3A_28 = tpu.memref_squeeze %dma_wait3A_27 : memref<1x10000xi32, #tpu.memory_space<hbm>> -> memref<10000xi32, #tpu.memory_space<hbm>>
    tpu.wait_dma2 semaphore(%arg14 : memref<!tpu.dma_semaphore, #tpu.memory_space<semaphore_mem>>) src(%dma_wait3A_28 : memref<10000xi32, #tpu.memory_space<hbm>>) dst(%arg7 : memref<10000xi32, #tpu.memory_space<vmem>>)
    %dma_start3A_29 = arith.constant 0 : i32
    %dma_start3A_30 = tpu.memref_slice %arg7[%dma_start3A_29] : memref<10000xi32, #tpu.memory_space<vmem>> -> memref<80xi32, #tpu.memory_space<vmem>>
    %dma_start3A_31 = arith.constant 0 : i32
    %dma_start3A_32 = arith.constant 0 : i32
    %dma_start3A_33 = tpu.memref_slice %arg2[%dma_start3A_31, %dma_start3A_32] : memref<10000x128xf32, #tpu.memory_space<hbm>> -> memref<10000x128xf32, #tpu.memory_space<hbm>>
    tpu.enqueue_indirect_dma source(%dma_start3A_33 : memref<10000x128xf32, #tpu.memory_space<hbm>>) target(%arg9 : memref<80x128xf32, #tpu.memory_space<vmem>>) offsets(%dma_start3A_30 : memref<80xi32, #tpu.memory_space<vmem>>) semaphore(%arg12 : memref<!tpu.dma_semaphore, #tpu.memory_space<semaphore_mem>>)
    %dma_start3A_34 = arith.constant 80 : i32
    %dma_start3A_35 = tpu.memref_slice %arg7[%dma_start3A_34] : memref<10000xi32, #tpu.memory_space<vmem>> -> memref<80xi32, #tpu.memory_space<vmem>>
    %dma_start3A_36 = arith.constant 0 : i32
    %dma_start3A_37 = arith.constant 0 : i32
    %dma_start3A_38 = tpu.memref_slice %arg2[%dma_start3A_36, %dma_start3A_37] : memref<10000x128xf32, #tpu.memory_space<hbm>> -> memref<10000x128xf32, #tpu.memory_space<hbm>>
    tpu.enqueue_indirect_dma source(%dma_start3A_38 : memref<10000x128xf32, #tpu.memory_space<hbm>>) target(%arg10 : memref<80x128xf32, #tpu.memory_space<vmem>>) offsets(%dma_start3A_35 : memref<80xi32, #tpu.memory_space<vmem>>) semaphore(%arg13 : memref<!tpu.dma_semaphore, #tpu.memory_space<semaphore_mem>>)
    %dma_wait3A_39 = arith.constant 0 : i32
    %dma_wait3A_40 = arith.constant 0 : i32
    %dma_wait3A_41 = tpu.memref_slice %arg4[%add3A, %dma_wait3A_39, %dma_wait3A_40] : memref<32x125x80xi32, #tpu.memory_space<hbm>> -> memref<1x125x80xi32, #tpu.memory_space<hbm>>
    %dma_wait3A_42 = tpu.memref_squeeze %dma_wait3A_41 : memref<1x125x80xi32, #tpu.memory_space<hbm>> -> memref<125x80xi32, #tpu.memory_space<hbm>>
    %dma_wait3A_43 = arith.constant 0 : i32
    %dma_wait3A_44 = arith.constant 0 : i32
    %dma_wait3A_45 = tpu.memref_slice %arg4[%add3A, %dma_wait3A_43, %dma_wait3A_44] : memref<32x125x80xi32, #tpu.memory_space<hbm>> -> memref<1x125x80xi32, #tpu.memory_space<hbm>>
    %dma_wait3A_46 = tpu.memref_squeeze %dma_wait3A_45 : memref<1x125x80xi32, #tpu.memory_space<hbm>> -> memref<125x80xi32, #tpu.memory_space<hbm>>
    tpu.wait_dma2 semaphore(%arg14 : memref<!tpu.dma_semaphore, #tpu.memory_space<semaphore_mem>>) src(%dma_wait3A_46 : memref<125x80xi32, #tpu.memory_space<hbm>>) dst(%arg8 : memref<125x80xi32, #tpu.memory_space<vmem>>)
    %dma_wait3A_47 = arith.constant 0 : i32
    %dma_wait3A_48 = tpu.memref_slice %arg11[%mul3A_17, %dma_wait3A_47] : memref<10000x128xf32, #tpu.memory_space<vmem_shared>> -> memref<624x128xf32, #tpu.memory_space<vmem_shared>>
    %dma_wait3A_49 = arith.constant 0 : i32
    %dma_wait3A_50 = tpu.memref_slice %arg5[%mul3A_15, %dma_wait3A_49] : memref<10000x128xf32, #tpu.memory_space<hbm>> -> memref<624x128xf32, #tpu.memory_space<hbm>>
    tpu.wait_dma2 semaphore(%arg14 : memref<!tpu.dma_semaphore, #tpu.memory_space<semaphore_mem>>) src(%dma_wait3A_50 : memref<624x128xf32, #tpu.memory_space<hbm>>) dst(%dma_wait3A_48 : memref<624x128xf32, #tpu.memory_space<vmem_shared>>)
    %barrier3A = arith.constant 0 : index
    tpu.barrier barrier_id(%barrier3A)
    %scan3A = arith.constant 0 : i32
    %scan3A_51 = arith.constant 62 : i32
    %scan3A_52 = arith.addi %scan3A, %scan3A_51 : i32
    %scan3A_53 = arith.constant 1 : i32
    scf.for %scan3A_70 = %scan3A to %scan3A_52 step %scan3A_53  : i32 {
      %mul3A_71 = arith.constant 2 : i32
      %mul3A_72 = arith.muli %scan3A_70, %mul3A_71 : i32
      %add3A_73 = arith.constant 0 : i32
      %add3A_74 = arith.addi %add3A_73, %mul3A_72 : i32
      %mul3A_75 = arith.constant 80 : i32
      %mul3A_76 = arith.muli %add3A_74, %mul3A_75 : i32
      %dma_wait3A_77 = tpu.memref_slice %arg7[%mul3A_76] : memref<10000xi32, #tpu.memory_space<vmem>> -> memref<80xi32, #tpu.memory_space<vmem>>
      %dma_wait3A_78 = arith.constant 0 : i32
      %dma_wait3A_79 = arith.constant 0 : i32
      %dma_wait3A_80 = tpu.memref_slice %arg2[%dma_wait3A_78, %dma_wait3A_79] : memref<10000x128xf32, #tpu.memory_space<hbm>> -> memref<10000x128xf32, #tpu.memory_space<hbm>>
      tpu.wait_indirect_dma semaphore(%arg12 : memref<!tpu.dma_semaphore, #tpu.memory_space<semaphore_mem>>) src(%dma_wait3A_80 : memref<10000x128xf32, #tpu.memory_space<hbm>>) dst(%arg9 : memref<80x128xf32, #tpu.memory_space<vmem>>)
      "tpu.region"() ({
        %run_scoped3A_105 = tpu.sem_alloc : memref<!tpu.dma_semaphore, #tpu.memory_space<semaphore_mem>>
        %dma_start3A_106 = arith.constant 0 : i32
        %dma_start3A_107 = tpu.memref_slice %arg8[%add3A_74, %dma_start3A_106] : memref<125x80xi32, #tpu.memory_space<vmem>> -> memref<1x80xi32, #tpu.memory_space<vmem>>
        %dma_start3A_108 = tpu.memref_squeeze %dma_start3A_107 : memref<1x80xi32, #tpu.memory_space<vmem>> -> memref<80xi32, #tpu.memory_space<vmem>>
        %dma_start3A_109 = arith.constant 0 : i32
        %dma_start3A_110 = arith.constant 0 : i32
        %dma_start3A_111 = tpu.memref_slice %arg11[%dma_start3A_109, %dma_start3A_110] : memref<10000x128xf32, #tpu.memory_space<vmem_shared>> -> memref<10000x128xf32, #tpu.memory_space<vmem_shared>>
        tpu.enqueue_indirect_dma source(%arg9 : memref<80x128xf32, #tpu.memory_space<vmem>>) target(%dma_start3A_111 : memref<10000x128xf32, #tpu.memory_space<vmem_shared>>) offsets(%dma_start3A_108 : memref<80xi32, #tpu.memory_space<vmem>>) semaphore(%run_scoped3A_105 : memref<!tpu.dma_semaphore, #tpu.memory_space<semaphore_mem>>) {add = true}
        %dma_wait3A_112 = arith.constant 0 : i32
        %dma_wait3A_113 = tpu.memref_slice %arg8[%add3A_74, %dma_wait3A_112] : memref<125x80xi32, #tpu.memory_space<vmem>> -> memref<1x80xi32, #tpu.memory_space<vmem>>
        %dma_wait3A_114 = tpu.memref_squeeze %dma_wait3A_113 : memref<1x80xi32, #tpu.memory_space<vmem>> -> memref<80xi32, #tpu.memory_space<vmem>>
        %dma_wait3A_115 = arith.constant 0 : i32
        %dma_wait3A_116 = arith.constant 0 : i32
        %dma_wait3A_117 = tpu.memref_slice %arg11[%dma_wait3A_115, %dma_wait3A_116] : memref<10000x128xf32, #tpu.memory_space<vmem_shared>> -> memref<10000x128xf32, #tpu.memory_space<vmem_shared>>
        tpu.wait_indirect_dma semaphore(%run_scoped3A_105 : memref<!tpu.dma_semaphore, #tpu.memory_space<semaphore_mem>>) src(%arg9 : memref<80x128xf32, #tpu.memory_space<vmem>>) dst(%dma_wait3A_117 : memref<10000x128xf32, #tpu.memory_space<vmem_shared>>)
        tpu.yield
      }) : () -> ()
      %add3A_81 = arith.constant 2 : i32
      %add3A_82 = arith.addi %add3A_74, %add3A_81 : i32
      %mul3A_83 = arith.constant 80 : i32
      %mul3A_84 = arith.muli %add3A_82, %mul3A_83 : i32
      %dma_start3A_85 = tpu.memref_slice %arg7[%mul3A_84] : memref<10000xi32, #tpu.memory_space<vmem>> -> memref<80xi32, #tpu.memory_space<vmem>>
      %dma_start3A_86 = arith.constant 0 : i32
      %dma_start3A_87 = arith.constant 0 : i32
      %dma_start3A_88 = tpu.memref_slice %arg2[%dma_start3A_86, %dma_start3A_87] : memref<10000x128xf32, #tpu.memory_space<hbm>> -> memref<10000x128xf32, #tpu.memory_space<hbm>>
      tpu.enqueue_indirect_dma source(%dma_start3A_88 : memref<10000x128xf32, #tpu.memory_space<hbm>>) target(%arg9 : memref<80x128xf32, #tpu.memory_space<vmem>>) offsets(%dma_start3A_85 : memref<80xi32, #tpu.memory_space<vmem>>) semaphore(%arg12 : memref<!tpu.dma_semaphore, #tpu.memory_space<semaphore_mem>>)
      %add3A_89 = arith.constant 1 : i32
      %add3A_90 = arith.addi %add3A_74, %add3A_89 : i32
      %mul3A_91 = arith.constant 80 : i32
      %mul3A_92 = arith.muli %add3A_90, %mul3A_91 : i32
      %dma_wait3A_93 = tpu.memref_slice %arg7[%mul3A_92] : memref<10000xi32, #tpu.memory_space<vmem>> -> memref<80xi32, #tpu.memory_space<vmem>>
      %dma_wait3A_94 = arith.constant 0 : i32
      %dma_wait3A_95 = arith.constant 0 : i32
      %dma_wait3A_96 = tpu.memref_slice %arg2[%dma_wait3A_94, %dma_wait3A_95] : memref<10000x128xf32, #tpu.memory_space<hbm>> -> memref<10000x128xf32, #tpu.memory_space<hbm>>
      tpu.wait_indirect_dma semaphore(%arg13 : memref<!tpu.dma_semaphore, #tpu.memory_space<semaphore_mem>>) src(%dma_wait3A_96 : memref<10000x128xf32, #tpu.memory_space<hbm>>) dst(%arg10 : memref<80x128xf32, #tpu.memory_space<vmem>>)
      %add3A_97 = arith.constant 1 : i32
      %add3A_98 = arith.addi %add3A_74, %add3A_97 : i32
      "tpu.region"() ({
        %run_scoped3A_105 = tpu.sem_alloc : memref<!tpu.dma_semaphore, #tpu.memory_space<semaphore_mem>>
        %dma_start3A_106 = arith.constant 0 : i32
        %dma_start3A_107 = tpu.memref_slice %arg8[%add3A_98, %dma_start3A_106] : memref<125x80xi32, #tpu.memory_space<vmem>> -> memref<1x80xi32, #tpu.memory_space<vmem>>
        %dma_start3A_108 = tpu.memref_squeeze %dma_start3A_107 : memref<1x80xi32, #tpu.memory_space<vmem>> -> memref<80xi32, #tpu.memory_space<vmem>>
        %dma_start3A_109 = arith.constant 0 : i32
        %dma_start3A_110 = arith.constant 0 : i32
        %dma_start3A_111 = tpu.memref_slice %arg11[%dma_start3A_109, %dma_start3A_110] : memref<10000x128xf32, #tpu.memory_space<vmem_shared>> -> memref<10000x128xf32, #tpu.memory_space<vmem_shared>>
        tpu.enqueue_indirect_dma source(%arg10 : memref<80x128xf32, #tpu.memory_space<vmem>>) target(%dma_start3A_111 : memref<10000x128xf32, #tpu.memory_space<vmem_shared>>) offsets(%dma_start3A_108 : memref<80xi32, #tpu.memory_space<vmem>>) semaphore(%run_scoped3A_105 : memref<!tpu.dma_semaphore, #tpu.memory_space<semaphore_mem>>) {add = true}
        %dma_wait3A_112 = arith.constant 0 : i32
        %dma_wait3A_113 = tpu.memref_slice %arg8[%add3A_98, %dma_wait3A_112] : memref<125x80xi32, #tpu.memory_space<vmem>> -> memref<1x80xi32, #tpu.memory_space<vmem>>
        %dma_wait3A_114 = tpu.memref_squeeze %dma_wait3A_113 : memref<1x80xi32, #tpu.memory_space<vmem>> -> memref<80xi32, #tpu.memory_space<vmem>>
        %dma_wait3A_115 = arith.constant 0 : i32
        %dma_wait3A_116 = arith.constant 0 : i32
        %dma_wait3A_117 = tpu.memref_slice %arg11[%dma_wait3A_115, %dma_wait3A_116] : memref<10000x128xf32, #tpu.memory_space<vmem_shared>> -> memref<10000x128xf32, #tpu.memory_space<vmem_shared>>
        tpu.wait_indirect_dma semaphore(%run_scoped3A_105 : memref<!tpu.dma_semaphore, #tpu.memory_space<semaphore_mem>>) src(%arg10 : memref<80x128xf32, #tpu.memory_space<vmem>>) dst(%dma_wait3A_117 : memref<10000x128xf32, #tpu.memory_space<vmem_shared>>)
        tpu.yield
      }) : () -> ()
      %add3A_99 = arith.constant 3 : i32
      %add3A_100 = arith.addi %add3A_74, %add3A_99 : i32
      %lt3A = arith.constant 125 : i32
      %lt3A_101 = arith.cmpi slt, %add3A_100, %lt3A : i32
      %convert_element_type3A_102 = arith.extui %lt3A_101 : i1 to i32
      %cond3A_103 = arith.constant 0 : i32
      %cond3A_104 = arith.cmpi ne, %convert_element_type3A_102, %cond3A_103 : i32
      scf.if %cond3A_104 {
        %add3A_105 = arith.constant 3 : i32
        %add3A_106 = arith.addi %add3A_74, %add3A_105 : i32
        %mul3A_107 = arith.constant 80 : i32
        %mul3A_108 = arith.muli %add3A_106, %mul3A_107 : i32
        %dma_start3A_109 = tpu.memref_slice %arg7[%mul3A_108] : memref<10000xi32, #tpu.memory_space<vmem>> -> memref<80xi32, #tpu.memory_space<vmem>>
        %dma_start3A_110 = arith.constant 0 : i32
        %dma_start3A_111 = arith.constant 0 : i32
        %dma_start3A_112 = tpu.memref_slice %arg2[%dma_start3A_110, %dma_start3A_111] : memref<10000x128xf32, #tpu.memory_space<hbm>> -> memref<10000x128xf32, #tpu.memory_space<hbm>>
        tpu.enqueue_indirect_dma source(%dma_start3A_112 : memref<10000x128xf32, #tpu.memory_space<hbm>>) target(%arg10 : memref<80x128xf32, #tpu.memory_space<vmem>>) offsets(%dma_start3A_109 : memref<80xi32, #tpu.memory_space<vmem>>) semaphore(%arg13 : memref<!tpu.dma_semaphore, #tpu.memory_space<semaphore_mem>>)
      } else {
      }
    }
    %scan3A_54 = arith.constant 62 : i32
    %dma_wait3A_55 = arith.constant 9920 : i32
    %dma_wait3A_56 = tpu.memref_slice %arg7[%dma_wait3A_55] : memref<10000xi32, #tpu.memory_space<vmem>> -> memref<80xi32, #tpu.memory_space<vmem>>
    %dma_wait3A_57 = arith.constant 0 : i32
    %dma_wait3A_58 = arith.constant 0 : i32
    %dma_wait3A_59 = tpu.memref_slice %arg2[%dma_wait3A_57, %dma_wait3A_58] : memref<10000x128xf32, #tpu.memory_space<hbm>> -> memref<10000x128xf32, #tpu.memory_space<hbm>>
    tpu.wait_indirect_dma semaphore(%arg12 : memref<!tpu.dma_semaphore, #tpu.memory_space<semaphore_mem>>) src(%dma_wait3A_59 : memref<10000x128xf32, #tpu.memory_space<hbm>>) dst(%arg9 : memref<80x128xf32, #tpu.memory_space<vmem>>)
    %run_scoped3A = arith.constant 124 : i32
    "tpu.region"() ({
      %run_scoped3A_70 = tpu.sem_alloc : memref<!tpu.dma_semaphore, #tpu.memory_space<semaphore_mem>>
      %dma_start3A_71 = arith.constant 0 : i32
      %dma_start3A_72 = tpu.memref_slice %arg8[%run_scoped3A, %dma_start3A_71] : memref<125x80xi32, #tpu.memory_space<vmem>> -> memref<1x80xi32, #tpu.memory_space<vmem>>
      %dma_start3A_73 = tpu.memref_squeeze %dma_start3A_72 : memref<1x80xi32, #tpu.memory_space<vmem>> -> memref<80xi32, #tpu.memory_space<vmem>>
      %dma_start3A_74 = arith.constant 0 : i32
      %dma_start3A_75 = arith.constant 0 : i32
      %dma_start3A_76 = tpu.memref_slice %arg11[%dma_start3A_74, %dma_start3A_75] : memref<10000x128xf32, #tpu.memory_space<vmem_shared>> -> memref<10000x128xf32, #tpu.memory_space<vmem_shared>>
      tpu.enqueue_indirect_dma source(%arg9 : memref<80x128xf32, #tpu.memory_space<vmem>>) target(%dma_start3A_76 : memref<10000x128xf32, #tpu.memory_space<vmem_shared>>) offsets(%dma_start3A_73 : memref<80xi32, #tpu.memory_space<vmem>>) semaphore(%run_scoped3A_70 : memref<!tpu.dma_semaphore, #tpu.memory_space<semaphore_mem>>) {add = true}
      %dma_wait3A_77 = arith.constant 0 : i32
      %dma_wait3A_78 = tpu.memref_slice %arg8[%run_scoped3A, %dma_wait3A_77] : memref<125x80xi32, #tpu.memory_space<vmem>> -> memref<1x80xi32, #tpu.memory_space<vmem>>
      %dma_wait3A_79 = tpu.memref_squeeze %dma_wait3A_78 : memref<1x80xi32, #tpu.memory_space<vmem>> -> memref<80xi32, #tpu.memory_space<vmem>>
      %dma_wait3A_80 = arith.constant 0 : i32
      %dma_wait3A_81 = arith.constant 0 : i32
      %dma_wait3A_82 = tpu.memref_slice %arg11[%dma_wait3A_80, %dma_wait3A_81] : memref<10000x128xf32, #tpu.memory_space<vmem_shared>> -> memref<10000x128xf32, #tpu.memory_space<vmem_shared>>
      tpu.wait_indirect_dma semaphore(%run_scoped3A_70 : memref<!tpu.dma_semaphore, #tpu.memory_space<semaphore_mem>>) src(%arg9 : memref<80x128xf32, #tpu.memory_space<vmem>>) dst(%dma_wait3A_82 : memref<10000x128xf32, #tpu.memory_space<vmem_shared>>)
      tpu.yield
    }) : () -> ()
    %barrier3A_60 = arith.constant 0 : index
    tpu.barrier barrier_id(%barrier3A_60)
    %mul3A_61 = arith.constant 624 : i32
    %mul3A_62 = arith.muli %arg1, %mul3A_61 : i32
    %mul3A_63 = arith.constant 624 : i32
    %mul3A_64 = arith.muli %arg1, %mul3A_63 : i32
    "tpu.region"() ({
      %run_scoped3A_70 = tpu.sem_alloc : memref<!tpu.dma_semaphore, #tpu.memory_space<semaphore_mem>>
      %dma_start3A_71 = arith.constant 0 : i32
      %dma_start3A_72 = arith.constant 0 : i32
      %dma_start3A_73 = tpu.memref_slice %arg6[%arg0, %dma_start3A_71, %dma_start3A_72] : memref<2x10000x128xf32, #tpu.memory_space<hbm>> -> memref<1x10000x128xf32, #tpu.memory_space<hbm>>
      %dma_start3A_74 = tpu.memref_squeeze %dma_start3A_73 : memref<1x10000x128xf32, #tpu.memory_space<hbm>> -> memref<10000x128xf32, #tpu.memory_space<hbm>>
      %dma_start3A_75 = arith.constant 0 : i32
      %dma_start3A_76 = tpu.memref_slice %dma_start3A_74[%mul3A_64, %dma_start3A_75] : memref<10000x128xf32, #tpu.memory_space<hbm>> -> memref<624x128xf32, #tpu.memory_space<hbm>>
      %dma_start3A_77 = arith.constant 0 : i32
      %dma_start3A_78 = tpu.memref_slice %arg11[%mul3A_62, %dma_start3A_77] : memref<10000x128xf32, #tpu.memory_space<vmem_shared>> -> memref<624x128xf32, #tpu.memory_space<vmem_shared>>
      tpu.enqueue_dma source(%dma_start3A_78 : memref<624x128xf32, #tpu.memory_space<vmem_shared>>) target(%dma_start3A_76 : memref<624x128xf32, #tpu.memory_space<hbm>>) target_semaphore(%run_scoped3A_70 : memref<!tpu.dma_semaphore, #tpu.memory_space<semaphore_mem>>)
      %dma_wait3A_79 = arith.constant 0 : i32
      %dma_wait3A_80 = arith.constant 0 : i32
      %dma_wait3A_81 = tpu.memref_slice %arg6[%arg0, %dma_wait3A_79, %dma_wait3A_80] : memref<2x10000x128xf32, #tpu.memory_space<hbm>> -> memref<1x10000x128xf32, #tpu.memory_space<hbm>>
      %dma_wait3A_82 = tpu.memref_squeeze %dma_wait3A_81 : memref<1x10000x128xf32, #tpu.memory_space<hbm>> -> memref<10000x128xf32, #tpu.memory_space<hbm>>
      %dma_wait3A_83 = arith.constant 0 : i32
      %dma_wait3A_84 = tpu.memref_slice %dma_wait3A_82[%mul3A_64, %dma_wait3A_83] : memref<10000x128xf32, #tpu.memory_space<hbm>> -> memref<624x128xf32, #tpu.memory_space<hbm>>
      %dma_wait3A_85 = arith.constant 0 : i32
      %dma_wait3A_86 = tpu.memref_slice %arg11[%mul3A_62, %dma_wait3A_85] : memref<10000x128xf32, #tpu.memory_space<vmem_shared>> -> memref<624x128xf32, #tpu.memory_space<vmem_shared>>
      tpu.wait_dma2 semaphore(%run_scoped3A_70 : memref<!tpu.dma_semaphore, #tpu.memory_space<semaphore_mem>>) src(%dma_wait3A_86 : memref<624x128xf32, #tpu.memory_space<vmem_shared>>) dst(%dma_wait3A_84 : memref<624x128xf32, #tpu.memory_space<hbm>>)
      tpu.yield
    }) : () -> ()
    %eq3A_65 = arith.constant 0 : i32
    %eq3A_66 = arith.cmpi eq, %arg1, %eq3A_65 : i32
    %convert_element_type3A_67 = arith.extui %eq3A_66 : i1 to i32
    %cond3A_68 = arith.constant 0 : i32
    %cond3A_69 = arith.cmpi ne, %convert_element_type3A_67, %cond3A_68 : i32
    scf.if %cond3A_69 {
      "tpu.region"() ({
        %run_scoped3A_70 = tpu.sem_alloc : memref<!tpu.dma_semaphore, #tpu.memory_space<semaphore_mem>>
        %dma_start3A_71 = arith.constant 0 : i32
        %dma_start3A_72 = arith.constant 0 : i32
        %dma_start3A_73 = tpu.memref_slice %arg6[%arg0, %dma_start3A_71, %dma_start3A_72] : memref<2x10000x128xf32, #tpu.memory_space<hbm>> -> memref<1x10000x128xf32, #tpu.memory_space<hbm>>
        %dma_start3A_74 = tpu.memref_squeeze %dma_start3A_73 : memref<1x10000x128xf32, #tpu.memory_space<hbm>> -> memref<10000x128xf32, #tpu.memory_space<hbm>>
        %dma_start3A_75 = arith.constant 9984 : i32
        %dma_start3A_76 = arith.constant 0 : i32
        %dma_start3A_77 = tpu.memref_slice %dma_start3A_74[%dma_start3A_75, %dma_start3A_76] : memref<10000x128xf32, #tpu.memory_space<hbm>> -> memref<16x128xf32, #tpu.memory_space<hbm>>
        %dma_start3A_78 = arith.constant 9984 : i32
        %dma_start3A_79 = arith.constant 0 : i32
        %dma_start3A_80 = tpu.memref_slice %arg11[%dma_start3A_78, %dma_start3A_79] : memref<10000x128xf32, #tpu.memory_space<vmem_shared>> -> memref<16x128xf32, #tpu.memory_space<vmem_shared>>
        tpu.enqueue_dma source(%dma_start3A_80 : memref<16x128xf32, #tpu.memory_space<vmem_shared>>) target(%dma_start3A_77 : memref<16x128xf32, #tpu.memory_space<hbm>>) target_semaphore(%run_scoped3A_70 : memref<!tpu.dma_semaphore, #tpu.memory_space<semaphore_mem>>)
        %dma_wait3A_81 = arith.constant 0 : i32
        %dma_wait3A_82 = arith.constant 0 : i32
        %dma_wait3A_83 = tpu.memref_slice %arg6[%arg0, %dma_wait3A_81, %dma_wait3A_82] : memref<2x10000x128xf32, #tpu.memory_space<hbm>> -> memref<1x10000x128xf32, #tpu.memory_space<hbm>>
        %dma_wait3A_84 = tpu.memref_squeeze %dma_wait3A_83 : memref<1x10000x128xf32, #tpu.memory_space<hbm>> -> memref<10000x128xf32, #tpu.memory_space<hbm>>
        %dma_wait3A_85 = arith.constant 9984 : i32
        %dma_wait3A_86 = arith.constant 0 : i32
        %dma_wait3A_87 = tpu.memref_slice %dma_wait3A_84[%dma_wait3A_85, %dma_wait3A_86] : memref<10000x128xf32, #tpu.memory_space<hbm>> -> memref<16x128xf32, #tpu.memory_space<hbm>>
        %dma_wait3A_88 = arith.constant 9984 : i32
        %dma_wait3A_89 = arith.constant 0 : i32
        %dma_wait3A_90 = tpu.memref_slice %arg11[%dma_wait3A_88, %dma_wait3A_89] : memref<10000x128xf32, #tpu.memory_space<vmem_shared>> -> memref<16x128xf32, #tpu.memory_space<vmem_shared>>
        tpu.wait_dma2 semaphore(%run_scoped3A_70 : memref<!tpu.dma_semaphore, #tpu.memory_space<semaphore_mem>>) src(%dma_wait3A_90 : memref<16x128xf32, #tpu.memory_space<vmem_shared>>) dst(%dma_wait3A_87 : memref<16x128xf32, #tpu.memory_space<hbm>>)
        tpu.yield
      }) : () -> ()
    } else {
    }
    return
  }
}

#map = affine_map<(d0, d1) -> (0, 0)>
#map1 = affine_map<(d0, d1) -> (0, 0, 0)>
module attributes {stable_mosaic.version = 14 : i64} {
  func.func @scat(%arg0: i32, %arg1: i32, %arg2: memref<10000x128xf32, #tpu.memory_space<hbm>>, %arg3: memref<32x10000xi32, #tpu.memory_space<hbm>>, %arg4: memref<32x125x80xi32, #tpu.memory_space<hbm>>, %arg5: memref<10000x128xf32, #tpu.memory_space<hbm>>, %arg6: memref<2x10000x128xf32, #tpu.memory_space<hbm>>, %arg7: memref<10000xi32, #tpu.memory_space<vmem>>, %arg8: memref<125x80xi32, #tpu.memory_space<vmem>>, %arg9: memref<80x128xf32, #tpu.memory_space<vmem>>, %arg10: memref<80x128xf32, #tpu.memory_space<vmem>>, %arg11: memref<10000x128xf32, #tpu.memory_space<vmem_shared>>, %arg12: memref<!tpu.dma_semaphore, #tpu.memory_space<semaphore_mem>>, %arg13: memref<!tpu.dma_semaphore, #tpu.memory_space<semaphore_mem>>, %arg14: memref<!tpu.dma_semaphore, #tpu.memory_space<semaphore_mem>>) attributes {dimension_semantics = [#tpu.dimension_semantics<core_parallel>, #tpu.dimension_semantics<subcore_parallel>], iteration_bounds = array<i64: 2, 16>, scalar_prefetch = 0 : i64, scratch_operands = 8 : i64, tpu.core_type = #tpu.core_type<sc_vector_subcore>, window_params = [{transform_indices = #map}, {transform_indices = #map}, {transform_indices = #map1}, {transform_indices = #map}, {transform_indices = #map1}]} {
    %mul3A = arith.constant 2 : i32
    %mul3A_0 = arith.muli %arg1, %mul3A : i32
    %add3A = arith.addi %mul3A_0, %arg0 : i32
    %dma_start3A = arith.constant 0 : i32
    %dma_start3A_1 = tpu.memref_slice %arg3[%add3A, %dma_start3A] : memref<32x10000xi32, #tpu.memory_space<hbm>> -> memref<1x10000xi32, #tpu.memory_space<hbm>>
    %dma_start3A_2 = tpu.memref_squeeze %dma_start3A_1 : memref<1x10000xi32, #tpu.memory_space<hbm>> -> memref<10000xi32, #tpu.memory_space<hbm>>
    %dma_start3A_3 = arith.constant 0 : i32
    %dma_start3A_4 = tpu.memref_slice %arg3[%add3A, %dma_start3A_3] : memref<32x10000xi32, #tpu.memory_space<hbm>> -> memref<1x10000xi32, #tpu.memory_space<hbm>>
    %dma_start3A_5 = tpu.memref_squeeze %dma_start3A_4 : memref<1x10000xi32, #tpu.memory_space<hbm>> -> memref<10000xi32, #tpu.memory_space<hbm>>
    tpu.enqueue_dma source(%dma_start3A_5 : memref<10000xi32, #tpu.memory_space<hbm>>) target(%arg7 : memref<10000xi32, #tpu.memory_space<vmem>>) target_semaphore(%arg14 : memref<!tpu.dma_semaphore, #tpu.memory_space<semaphore_mem>>)
    %dma_start3A_6 = arith.constant 0 : i32
    %dma_start3A_7 = arith.constant 0 : i32
    %dma_start3A_8 = tpu.memref_slice %arg4[%add3A, %dma_start3A_6, %dma_start3A_7] : memref<32x125x80xi32, #tpu.memory_space<hbm>> -> memref<1x125x80xi32, #tpu.memory_space<hbm>>
    %dma_start3A_9 = tpu.memref_squeeze %dma_start3A_8 : memref<1x125x80xi32, #tpu.memory_space<hbm>> -> memref<125x80xi32, #tpu.memory_space<hbm>>
    %dma_start3A_10 = arith.constant 0 : i32
    %dma_start3A_11 = arith.constant 0 : i32
    %dma_start3A_12 = tpu.memref_slice %arg4[%add3A, %dma_start3A_10, %dma_start3A_11] : memref<32x125x80xi32, #tpu.memory_space<hbm>> -> memref<1x125x80xi32, #tpu.memory_space<hbm>>
    %dma_start3A_13 = tpu.memref_squeeze %dma_start3A_12 : memref<1x125x80xi32, #tpu.memory_space<hbm>> -> memref<125x80xi32, #tpu.memory_space<hbm>>
    tpu.enqueue_dma source(%dma_start3A_13 : memref<125x80xi32, #tpu.memory_space<hbm>>) target(%arg8 : memref<125x80xi32, #tpu.memory_space<vmem>>) target_semaphore(%arg14 : memref<!tpu.dma_semaphore, #tpu.memory_space<semaphore_mem>>)
    %mul3A_14 = arith.constant 624 : i32
    %mul3A_15 = arith.muli %arg1, %mul3A_14 : i32
    %mul3A_16 = arith.constant 624 : i32
    %mul3A_17 = arith.muli %arg1, %mul3A_16 : i32
    %dma_start3A_18 = arith.constant 0 : i32
    %dma_start3A_19 = tpu.memref_slice %arg11[%mul3A_17, %dma_start3A_18] : memref<10000x128xf32, #tpu.memory_space<vmem_shared>> -> memref<624x128xf32, #tpu.memory_space<vmem_shared>>
    %dma_start3A_20 = arith.constant 0 : i32
    %dma_start3A_21 = tpu.memref_slice %arg5[%mul3A_15, %dma_start3A_20] : memref<10000x128xf32, #tpu.memory_space<hbm>> -> memref<624x128xf32, #tpu.memory_space<hbm>>
    tpu.enqueue_dma source(%dma_start3A_21 : memref<624x128xf32, #tpu.memory_space<hbm>>) target(%dma_start3A_19 : memref<624x128xf32, #tpu.memory_space<vmem_shared>>) target_semaphore(%arg14 : memref<!tpu.dma_semaphore, #tpu.memory_space<semaphore_mem>>)
    %eq3A = arith.constant 0 : i32
    %eq3A_22 = arith.cmpi eq, %arg1, %eq3A : i32
    %convert_element_type3A = arith.extui %eq3A_22 : i1 to i32
    %cond3A = arith.constant 0 : i32
    %cond3A_23 = arith.cmpi ne, %convert_element_type3A, %cond3A : i32
    scf.if %cond3A_23 {
      %dma_start3A_70 = arith.constant 9984 : i32
      %dma_start3A_71 = arith.constant 0 : i32
      %dma_start3A_72 = tpu.memref_slice %arg11[%dma_start3A_70, %dma_start3A_71] : memref<10000x128xf32, #tpu.memory_space<vmem_shared>> -> memref<16x128xf32, #tpu.memory_space<vmem_shared>>
      %dma_start3A_73 = arith.constant 9984 : i32
      %dma_start3A_74 = arith.constant 0 : i32
      %dma_start3A_75 = tpu.memref_slice %arg5[%dma_start3A_73, %dma_start3A_74] : memref<10000x128xf32, #tpu.memory_space<hbm>> -> memref<16x128xf32, #tpu.memory_space<hbm>>
      tpu.enqueue_dma source(%dma_start3A_75 : memref<16x128xf32, #tpu.memory_space<hbm>>) target(%dma_start3A_72 : memref<16x128xf32, #tpu.memory_space<vmem_shared>>) target_semaphore(%arg14 : memref<!tpu.dma_semaphore, #tpu.memory_space<semaphore_mem>>)
      %dma_wait3A_76 = arith.constant 9984 : i32
      %dma_wait3A_77 = arith.constant 0 : i32
      %dma_wait3A_78 = tpu.memref_slice %arg11[%dma_wait3A_76, %dma_wait3A_77] : memref<10000x128xf32, #tpu.memory_space<vmem_shared>> -> memref<16x128xf32, #tpu.memory_space<vmem_shared>>
      %dma_wait3A_79 = arith.constant 9984 : i32
      %dma_wait3A_80 = arith.constant 0 : i32
      %dma_wait3A_81 = tpu.memref_slice %arg5[%dma_wait3A_79, %dma_wait3A_80] : memref<10000x128xf32, #tpu.memory_space<hbm>> -> memref<16x128xf32, #tpu.memory_space<hbm>>
      tpu.wait_dma2 semaphore(%arg14 : memref<!tpu.dma_semaphore, #tpu.memory_space<semaphore_mem>>) src(%dma_wait3A_81 : memref<16x128xf32, #tpu.memory_space<hbm>>) dst(%dma_wait3A_78 : memref<16x128xf32, #tpu.memory_space<vmem_shared>>)
    } else {
    }
    %dma_wait3A = arith.constant 0 : i32
    %dma_wait3A_24 = tpu.memref_slice %arg3[%add3A, %dma_wait3A] : memref<32x10000xi32, #tpu.memory_space<hbm>> -> memref<1x10000xi32, #tpu.memory_space<hbm>>
    %dma_wait3A_25 = tpu.memref_squeeze %dma_wait3A_24 : memref<1x10000xi32, #tpu.memory_space<hbm>> -> memref<10000xi32, #tpu.memory_space<hbm>>
    %dma_wait3A_26 = arith.constant 0 : i32
    %dma_wait3A_27 = tpu.memref_slice %arg3[%add3A, %dma_wait3A_26] : memref<32x10000xi32, #tpu.memory_space<hbm>> -> memref<1x10000xi32, #tpu.memory_space<hbm>>
    %dma_wait3A_28 = tpu.memref_squeeze %dma_wait3A_27 : memref<1x10000xi32, #tpu.memory_space<hbm>> -> memref<10000xi32, #tpu.memory_space<hbm>>
    tpu.wait_dma2 semaphore(%arg14 : memref<!tpu.dma_semaphore, #tpu.memory_space<semaphore_mem>>) src(%dma_wait3A_28 : memref<10000xi32, #tpu.memory_space<hbm>>) dst(%arg7 : memref<10000xi32, #tpu.memory_space<vmem>>)
    %dma_start3A_29 = arith.constant 0 : i32
    %dma_start3A_30 = tpu.memref_slice %arg7[%dma_start3A_29] : memref<10000xi32, #tpu.memory_space<vmem>> -> memref<80xi32, #tpu.memory_space<vmem>>
    %dma_start3A_31 = arith.constant 0 : i32
    %dma_start3A_32 = arith.constant 0 : i32
    %dma_start3A_33 = tpu.memref_slice %arg2[%dma_start3A_31, %dma_start3A_32] : memref<10000x128xf32, #tpu.memory_space<hbm>> -> memref<10000x128xf32, #tpu.memory_space<hbm>>
    tpu.enqueue_indirect_dma source(%dma_start3A_33 : memref<10000x128xf32, #tpu.memory_space<hbm>>) target(%arg9 : memref<80x128xf32, #tpu.memory_space<vmem>>) offsets(%dma_start3A_30 : memref<80xi32, #tpu.memory_space<vmem>>) semaphore(%arg12 : memref<!tpu.dma_semaphore, #tpu.memory_space<semaphore_mem>>)
    %dma_start3A_34 = arith.constant 80 : i32
    %dma_start3A_35 = tpu.memref_slice %arg7[%dma_start3A_34] : memref<10000xi32, #tpu.memory_space<vmem>> -> memref<80xi32, #tpu.memory_space<vmem>>
    %dma_start3A_36 = arith.constant 0 : i32
    %dma_start3A_37 = arith.constant 0 : i32
    %dma_start3A_38 = tpu.memref_slice %arg2[%dma_start3A_36, %dma_start3A_37] : memref<10000x128xf32, #tpu.memory_space<hbm>> -> memref<10000x128xf32, #tpu.memory_space<hbm>>
    tpu.enqueue_indirect_dma source(%dma_start3A_38 : memref<10000x128xf32, #tpu.memory_space<hbm>>) target(%arg10 : memref<80x128xf32, #tpu.memory_space<vmem>>) offsets(%dma_start3A_35 : memref<80xi32, #tpu.memory_space<vmem>>) semaphore(%arg13 : memref<!tpu.dma_semaphore, #tpu.memory_space<semaphore_mem>>)
    %dma_wait3A_39 = arith.constant 0 : i32
    %dma_wait3A_40 = arith.constant 0 : i32
    %dma_wait3A_41 = tpu.memref_slice %arg4[%add3A, %dma_wait3A_39, %dma_wait3A_40] : memref<32x125x80xi32, #tpu.memory_space<hbm>> -> memref<1x125x80xi32, #tpu.memory_space<hbm>>
    %dma_wait3A_42 = tpu.memref_squeeze %dma_wait3A_41 : memref<1x125x80xi32, #tpu.memory_space<hbm>> -> memref<125x80xi32, #tpu.memory_space<hbm>>
    %dma_wait3A_43 = arith.constant 0 : i32
    %dma_wait3A_44 = arith.constant 0 : i32
    %dma_wait3A_45 = tpu.memref_slice %arg4[%add3A, %dma_wait3A_43, %dma_wait3A_44] : memref<32x125x80xi32, #tpu.memory_space<hbm>> -> memref<1x125x80xi32, #tpu.memory_space<hbm>>
    %dma_wait3A_46 = tpu.memref_squeeze %dma_wait3A_45 : memref<1x125x80xi32, #tpu.memory_space<hbm>> -> memref<125x80xi32, #tpu.memory_space<hbm>>
    tpu.wait_dma2 semaphore(%arg14 : memref<!tpu.dma_semaphore, #tpu.memory_space<semaphore_mem>>) src(%dma_wait3A_46 : memref<125x80xi32, #tpu.memory_space<hbm>>) dst(%arg8 : memref<125x80xi32, #tpu.memory_space<vmem>>)
    %dma_wait3A_47 = arith.constant 0 : i32
    %dma_wait3A_48 = tpu.memref_slice %arg11[%mul3A_17, %dma_wait3A_47] : memref<10000x128xf32, #tpu.memory_space<vmem_shared>> -> memref<624x128xf32, #tpu.memory_space<vmem_shared>>
    %dma_wait3A_49 = arith.constant 0 : i32
    %dma_wait3A_50 = tpu.memref_slice %arg5[%mul3A_15, %dma_wait3A_49] : memref<10000x128xf32, #tpu.memory_space<hbm>> -> memref<624x128xf32, #tpu.memory_space<hbm>>
    tpu.wait_dma2 semaphore(%arg14 : memref<!tpu.dma_semaphore, #tpu.memory_space<semaphore_mem>>) src(%dma_wait3A_50 : memref<624x128xf32, #tpu.memory_space<hbm>>) dst(%dma_wait3A_48 : memref<624x128xf32, #tpu.memory_space<vmem_shared>>)
    %barrier3A = arith.constant 0 : index
    tpu.barrier barrier_id(%barrier3A)
    %scan3A = arith.constant 0 : i32
    %scan3A_51 = arith.constant 62 : i32
    %scan3A_52 = arith.addi %scan3A, %scan3A_51 : i32
    %scan3A_53 = arith.constant 1 : i32
    scf.for %scan3A_70 = %scan3A to %scan3A_52 step %scan3A_53  : i32 {
      %mul3A_71 = arith.constant 2 : i32
      %mul3A_72 = arith.muli %scan3A_70, %mul3A_71 : i32
      %add3A_73 = arith.constant 0 : i32
      %add3A_74 = arith.addi %add3A_73, %mul3A_72 : i32
      %mul3A_75 = arith.constant 80 : i32
      %mul3A_76 = arith.muli %add3A_74, %mul3A_75 : i32
      %dma_wait3A_77 = tpu.memref_slice %arg7[%mul3A_76] : memref<10000xi32, #tpu.memory_space<vmem>> -> memref<80xi32, #tpu.memory_space<vmem>>
      %dma_wait3A_78 = arith.constant 0 : i32
      %dma_wait3A_79 = arith.constant 0 : i32
      %dma_wait3A_80 = tpu.memref_slice %arg2[%dma_wait3A_78, %dma_wait3A_79] : memref<10000x128xf32, #tpu.memory_space<hbm>> -> memref<10000x128xf32, #tpu.memory_space<hbm>>
      tpu.wait_indirect_dma semaphore(%arg12 : memref<!tpu.dma_semaphore, #tpu.memory_space<semaphore_mem>>) src(%dma_wait3A_80 : memref<10000x128xf32, #tpu.memory_space<hbm>>) dst(%arg9 : memref<80x128xf32, #tpu.memory_space<vmem>>)
      "tpu.region"() ({
        %run_scoped3A_105 = tpu.sem_alloc : memref<!tpu.dma_semaphore, #tpu.memory_space<semaphore_mem>>
        %dma_start3A_106 = arith.constant 0 : i32
        %dma_start3A_107 = tpu.memref_slice %arg8[%add3A_74, %dma_start3A_106] : memref<125x80xi32, #tpu.memory_space<vmem>> -> memref<1x80xi32, #tpu.memory_space<vmem>>
        %dma_start3A_108 = tpu.memref_squeeze %dma_start3A_107 : memref<1x80xi32, #tpu.memory_space<vmem>> -> memref<80xi32, #tpu.memory_space<vmem>>
        %dma_start3A_109 = arith.constant 0 : i32
        %dma_start3A_110 = arith.constant 0 : i32
        %dma_start3A_111 = tpu.memref_slice %arg11[%dma_start3A_109, %dma_start3A_110] : memref<10000x128xf32, #tpu.memory_space<vmem_shared>> -> memref<10000x128xf32, #tpu.memory_space<vmem_shared>>
        tpu.enqueue_indirect_dma source(%arg9 : memref<80x128xf32, #tpu.memory_space<vmem>>) target(%dma_start3A_111 : memref<10000x128xf32, #tpu.memory_space<vmem_shared>>) offsets(%dma_start3A_108 : memref<80xi32, #tpu.memory_space<vmem>>) semaphore(%run_scoped3A_105 : memref<!tpu.dma_semaphore, #tpu.memory_space<semaphore_mem>>) {add = true}
        %dma_wait3A_112 = arith.constant 0 : i32
        %dma_wait3A_113 = tpu.memref_slice %arg8[%add3A_74, %dma_wait3A_112] : memref<125x80xi32, #tpu.memory_space<vmem>> -> memref<1x80xi32, #tpu.memory_space<vmem>>
        %dma_wait3A_114 = tpu.memref_squeeze %dma_wait3A_113 : memref<1x80xi32, #tpu.memory_space<vmem>> -> memref<80xi32, #tpu.memory_space<vmem>>
        %dma_wait3A_115 = arith.constant 0 : i32
        %dma_wait3A_116 = arith.constant 0 : i32
        %dma_wait3A_117 = tpu.memref_slice %arg11[%dma_wait3A_115, %dma_wait3A_116] : memref<10000x128xf32, #tpu.memory_space<vmem_shared>> -> memref<10000x128xf32, #tpu.memory_space<vmem_shared>>
        tpu.wait_indirect_dma semaphore(%run_scoped3A_105 : memref<!tpu.dma_semaphore, #tpu.memory_space<semaphore_mem>>) src(%arg9 : memref<80x128xf32, #tpu.memory_space<vmem>>) dst(%dma_wait3A_117 : memref<10000x128xf32, #tpu.memory_space<vmem_shared>>)
        tpu.yield
      }) : () -> ()
      %add3A_81 = arith.constant 2 : i32
      %add3A_82 = arith.addi %add3A_74, %add3A_81 : i32
      %mul3A_83 = arith.constant 80 : i32
      %mul3A_84 = arith.muli %add3A_82, %mul3A_83 : i32
      %dma_start3A_85 = tpu.memref_slice %arg7[%mul3A_84] : memref<10000xi32, #tpu.memory_space<vmem>> -> memref<80xi32, #tpu.memory_space<vmem>>
      %dma_start3A_86 = arith.constant 0 : i32
      %dma_start3A_87 = arith.constant 0 : i32
      %dma_start3A_88 = tpu.memref_slice %arg2[%dma_start3A_86, %dma_start3A_87] : memref<10000x128xf32, #tpu.memory_space<hbm>> -> memref<10000x128xf32, #tpu.memory_space<hbm>>
      tpu.enqueue_indirect_dma source(%dma_start3A_88 : memref<10000x128xf32, #tpu.memory_space<hbm>>) target(%arg9 : memref<80x128xf32, #tpu.memory_space<vmem>>) offsets(%dma_start3A_85 : memref<80xi32, #tpu.memory_space<vmem>>) semaphore(%arg12 : memref<!tpu.dma_semaphore, #tpu.memory_space<semaphore_mem>>)
      %add3A_89 = arith.constant 1 : i32
      %add3A_90 = arith.addi %add3A_74, %add3A_89 : i32
      %mul3A_91 = arith.constant 80 : i32
      %mul3A_92 = arith.muli %add3A_90, %mul3A_91 : i32
      %dma_wait3A_93 = tpu.memref_slice %arg7[%mul3A_92] : memref<10000xi32, #tpu.memory_space<vmem>> -> memref<80xi32, #tpu.memory_space<vmem>>
      %dma_wait3A_94 = arith.constant 0 : i32
      %dma_wait3A_95 = arith.constant 0 : i32
      %dma_wait3A_96 = tpu.memref_slice %arg2[%dma_wait3A_94, %dma_wait3A_95] : memref<10000x128xf32, #tpu.memory_space<hbm>> -> memref<10000x128xf32, #tpu.memory_space<hbm>>
      tpu.wait_indirect_dma semaphore(%arg13 : memref<!tpu.dma_semaphore, #tpu.memory_space<semaphore_mem>>) src(%dma_wait3A_96 : memref<10000x128xf32, #tpu.memory_space<hbm>>) dst(%arg10 : memref<80x128xf32, #tpu.memory_space<vmem>>)
      %add3A_97 = arith.constant 1 : i32
      %add3A_98 = arith.addi %add3A_74, %add3A_97 : i32
      "tpu.region"() ({
        %run_scoped3A_105 = tpu.sem_alloc : memref<!tpu.dma_semaphore, #tpu.memory_space<semaphore_mem>>
        %dma_start3A_106 = arith.constant 0 : i32
        %dma_start3A_107 = tpu.memref_slice %arg8[%add3A_98, %dma_start3A_106] : memref<125x80xi32, #tpu.memory_space<vmem>> -> memref<1x80xi32, #tpu.memory_space<vmem>>
        %dma_start3A_108 = tpu.memref_squeeze %dma_start3A_107 : memref<1x80xi32, #tpu.memory_space<vmem>> -> memref<80xi32, #tpu.memory_space<vmem>>
        %dma_start3A_109 = arith.constant 0 : i32
        %dma_start3A_110 = arith.constant 0 : i32
        %dma_start3A_111 = tpu.memref_slice %arg11[%dma_start3A_109, %dma_start3A_110] : memref<10000x128xf32, #tpu.memory_space<vmem_shared>> -> memref<10000x128xf32, #tpu.memory_space<vmem_shared>>
        tpu.enqueue_indirect_dma source(%arg10 : memref<80x128xf32, #tpu.memory_space<vmem>>) target(%dma_start3A_111 : memref<10000x128xf32, #tpu.memory_space<vmem_shared>>) offsets(%dma_start3A_108 : memref<80xi32, #tpu.memory_space<vmem>>) semaphore(%run_scoped3A_105 : memref<!tpu.dma_semaphore, #tpu.memory_space<semaphore_mem>>) {add = true}
        %dma_wait3A_112 = arith.constant 0 : i32
        %dma_wait3A_113 = tpu.memref_slice %arg8[%add3A_98, %dma_wait3A_112] : memref<125x80xi32, #tpu.memory_space<vmem>> -> memref<1x80xi32, #tpu.memory_space<vmem>>
        %dma_wait3A_114 = tpu.memref_squeeze %dma_wait3A_113 : memref<1x80xi32, #tpu.memory_space<vmem>> -> memref<80xi32, #tpu.memory_space<vmem>>
        %dma_wait3A_115 = arith.constant 0 : i32
        %dma_wait3A_116 = arith.constant 0 : i32
        %dma_wait3A_117 = tpu.memref_slice %arg11[%dma_wait3A_115, %dma_wait3A_116] : memref<10000x128xf32, #tpu.memory_space<vmem_shared>> -> memref<10000x128xf32, #tpu.memory_space<vmem_shared>>
        tpu.wait_indirect_dma semaphore(%run_scoped3A_105 : memref<!tpu.dma_semaphore, #tpu.memory_space<semaphore_mem>>) src(%arg10 : memref<80x128xf32, #tpu.memory_space<vmem>>) dst(%dma_wait3A_117 : memref<10000x128xf32, #tpu.memory_space<vmem_shared>>)
        tpu.yield
      }) : () -> ()
      %add3A_99 = arith.constant 3 : i32
      %add3A_100 = arith.addi %add3A_74, %add3A_99 : i32
      %lt3A = arith.constant 125 : i32
      %lt3A_101 = arith.cmpi slt, %add3A_100, %lt3A : i32
      %convert_element_type3A_102 = arith.extui %lt3A_101 : i1 to i32
      %cond3A_103 = arith.constant 0 : i32
      %cond3A_104 = arith.cmpi ne, %convert_element_type3A_102, %cond3A_103 : i32
      scf.if %cond3A_104 {
        %add3A_105 = arith.constant 3 : i32
        %add3A_106 = arith.addi %add3A_74, %add3A_105 : i32
        %mul3A_107 = arith.constant 80 : i32
        %mul3A_108 = arith.muli %add3A_106, %mul3A_107 : i32
        %dma_start3A_109 = tpu.memref_slice %arg7[%mul3A_108] : memref<10000xi32, #tpu.memory_space<vmem>> -> memref<80xi32, #tpu.memory_space<vmem>>
        %dma_start3A_110 = arith.constant 0 : i32
        %dma_start3A_111 = arith.constant 0 : i32
        %dma_start3A_112 = tpu.memref_slice %arg2[%dma_start3A_110, %dma_start3A_111] : memref<10000x128xf32, #tpu.memory_space<hbm>> -> memref<10000x128xf32, #tpu.memory_space<hbm>>
        tpu.enqueue_indirect_dma source(%dma_start3A_112 : memref<10000x128xf32, #tpu.memory_space<hbm>>) target(%arg10 : memref<80x128xf32, #tpu.memory_space<vmem>>) offsets(%dma_start3A_109 : memref<80xi32, #tpu.memory_space<vmem>>) semaphore(%arg13 : memref<!tpu.dma_semaphore, #tpu.memory_space<semaphore_mem>>)
      } else {
      }
    }
    %scan3A_54 = arith.constant 62 : i32
    %dma_wait3A_55 = arith.constant 9920 : i32
    %dma_wait3A_56 = tpu.memref_slice %arg7[%dma_wait3A_55] : memref<10000xi32, #tpu.memory_space<vmem>> -> memref<80xi32, #tpu.memory_space<vmem>>
    %dma_wait3A_57 = arith.constant 0 : i32
    %dma_wait3A_58 = arith.constant 0 : i32
    %dma_wait3A_59 = tpu.memref_slice %arg2[%dma_wait3A_57, %dma_wait3A_58] : memref<10000x128xf32, #tpu.memory_space<hbm>> -> memref<10000x128xf32, #tpu.memory_space<hbm>>
    tpu.wait_indirect_dma semaphore(%arg12 : memref<!tpu.dma_semaphore, #tpu.memory_space<semaphore_mem>>) src(%dma_wait3A_59 : memref<10000x128xf32, #tpu.memory_space<hbm>>) dst(%arg9 : memref<80x128xf32, #tpu.memory_space<vmem>>)
    %run_scoped3A = arith.constant 124 : i32
    "tpu.region"() ({
      %run_scoped3A_70 = tpu.sem_alloc : memref<!tpu.dma_semaphore, #tpu.memory_space<semaphore_mem>>
      %dma_start3A_71 = arith.constant 0 : i32
      %dma_start3A_72 = tpu.memref_slice %arg8[%run_scoped3A, %dma_start3A_71] : memref<125x80xi32, #tpu.memory_space<vmem>> -> memref<1x80xi32, #tpu.memory_space<vmem>>
      %dma_start3A_73 = tpu.memref_squeeze %dma_start3A_72 : memref<1x80xi32, #tpu.memory_space<vmem>> -> memref<80xi32, #tpu.memory_space<vmem>>
      %dma_start3A_74 = arith.constant 0 : i32
      %dma_start3A_75 = arith.constant 0 : i32
      %dma_start3A_76 = tpu.memref_slice %arg11[%dma_start3A_74, %dma_start3A_75] : memref<10000x128xf32, #tpu.memory_space<vmem_shared>> -> memref<10000x128xf32, #tpu.memory_space<vmem_shared>>
      tpu.enqueue_indirect_dma source(%arg9 : memref<80x128xf32, #tpu.memory_space<vmem>>) target(%dma_start3A_76 : memref<10000x128xf32, #tpu.memory_space<vmem_shared>>) offsets(%dma_start3A_73 : memref<80xi32, #tpu.memory_space<vmem>>) semaphore(%run_scoped3A_70 : memref<!tpu.dma_semaphore, #tpu.memory_space<semaphore_mem>>) {add = true}
      %dma_wait3A_77 = arith.constant 0 : i32
      %dma_wait3A_78 = tpu.memref_slice %arg8[%run_scoped3A, %dma_wait3A_77] : memref<125x80xi32, #tpu.memory_space<vmem>> -> memref<1x80xi32, #tpu.memory_space<vmem>>
      %dma_wait3A_79 = tpu.memref_squeeze %dma_wait3A_78 : memref<1x80xi32, #tpu.memory_space<vmem>> -> memref<80xi32, #tpu.memory_space<vmem>>
      %dma_wait3A_80 = arith.constant 0 : i32
      %dma_wait3A_81 = arith.constant 0 : i32
      %dma_wait3A_82 = tpu.memref_slice %arg11[%dma_wait3A_80, %dma_wait3A_81] : memref<10000x128xf32, #tpu.memory_space<vmem_shared>> -> memref<10000x128xf32, #tpu.memory_space<vmem_shared>>
      tpu.wait_indirect_dma semaphore(%run_scoped3A_70 : memref<!tpu.dma_semaphore, #tpu.memory_space<semaphore_mem>>) src(%arg9 : memref<80x128xf32, #tpu.memory_space<vmem>>) dst(%dma_wait3A_82 : memref<10000x128xf32, #tpu.memory_space<vmem_shared>>)
      tpu.yield
    }) : () -> ()
    %barrier3A_60 = arith.constant 0 : index
    tpu.barrier barrier_id(%barrier3A_60)
    %mul3A_61 = arith.constant 624 : i32
    %mul3A_62 = arith.muli %arg1, %mul3A_61 : i32
    %mul3A_63 = arith.constant 624 : i32
    %mul3A_64 = arith.muli %arg1, %mul3A_63 : i32
    "tpu.region"() ({
      %run_scoped3A_70 = tpu.sem_alloc : memref<!tpu.dma_semaphore, #tpu.memory_space<semaphore_mem>>
      %dma_start3A_71 = arith.constant 0 : i32
      %dma_start3A_72 = arith.constant 0 : i32
      %dma_start3A_73 = tpu.memref_slice %arg6[%arg0, %dma_start3A_71, %dma_start3A_72] : memref<2x10000x128xf32, #tpu.memory_space<hbm>> -> memref<1x10000x128xf32, #tpu.memory_space<hbm>>
      %dma_start3A_74 = tpu.memref_squeeze %dma_start3A_73 : memref<1x10000x128xf32, #tpu.memory_space<hbm>> -> memref<10000x128xf32, #tpu.memory_space<hbm>>
      %dma_start3A_75 = arith.constant 0 : i32
      %dma_start3A_76 = tpu.memref_slice %dma_start3A_74[%mul3A_64, %dma_start3A_75] : memref<10000x128xf32, #tpu.memory_space<hbm>> -> memref<624x128xf32, #tpu.memory_space<hbm>>
      %dma_start3A_77 = arith.constant 0 : i32
      %dma_start3A_78 = tpu.memref_slice %arg11[%mul3A_62, %dma_start3A_77] : memref<10000x128xf32, #tpu.memory_space<vmem_shared>> -> memref<624x128xf32, #tpu.memory_space<vmem_shared>>
      tpu.enqueue_dma source(%dma_start3A_78 : memref<624x128xf32, #tpu.memory_space<vmem_shared>>) target(%dma_start3A_76 : memref<624x128xf32, #tpu.memory_space<hbm>>) target_semaphore(%run_scoped3A_70 : memref<!tpu.dma_semaphore, #tpu.memory_space<semaphore_mem>>)
      %dma_wait3A_79 = arith.constant 0 : i32
      %dma_wait3A_80 = arith.constant 0 : i32
      %dma_wait3A_81 = tpu.memref_slice %arg6[%arg0, %dma_wait3A_79, %dma_wait3A_80] : memref<2x10000x128xf32, #tpu.memory_space<hbm>> -> memref<1x10000x128xf32, #tpu.memory_space<hbm>>
      %dma_wait3A_82 = tpu.memref_squeeze %dma_wait3A_81 : memref<1x10000x128xf32, #tpu.memory_space<hbm>> -> memref<10000x128xf32, #tpu.memory_space<hbm>>
      %dma_wait3A_83 = arith.constant 0 : i32
      %dma_wait3A_84 = tpu.memref_slice %dma_wait3A_82[%mul3A_64, %dma_wait3A_83] : memref<10000x128xf32, #tpu.memory_space<hbm>> -> memref<624x128xf32, #tpu.memory_space<hbm>>
      %dma_wait3A_85 = arith.constant 0 : i32
      %dma_wait3A_86 = tpu.memref_slice %arg11[%mul3A_62, %dma_wait3A_85] : memref<10000x128xf32, #tpu.memory_space<vmem_shared>> -> memref<624x128xf32, #tpu.memory_space<vmem_shared>>
      tpu.wait_dma2 semaphore(%run_scoped3A_70 : memref<!tpu.dma_semaphore, #tpu.memory_space<semaphore_mem>>) src(%dma_wait3A_86 : memref<624x128xf32, #tpu.memory_space<vmem_shared>>) dst(%dma_wait3A_84 : memref<624x128xf32, #tpu.memory_space<hbm>>)
      tpu.yield
    }) : () -> ()
    %eq3A_65 = arith.constant 0 : i32
    %eq3A_66 = arith.cmpi eq, %arg1, %eq3A_65 : i32
    %convert_element_type3A_67 = arith.extui %eq3A_66 : i1 to i32
    %cond3A_68 = arith.constant 0 : i32
    %cond3A_69 = arith.cmpi ne, %convert_element_type3A_67, %cond3A_68 : i32
    scf.if %cond3A_69 {
      "tpu.region"() ({
        %run_scoped3A_70 = tpu.sem_alloc : memref<!tpu.dma_semaphore, #tpu.memory_space<semaphore_mem>>
        %dma_start3A_71 = arith.constant 0 : i32
        %dma_start3A_72 = arith.constant 0 : i32
        %dma_start3A_73 = tpu.memref_slice %arg6[%arg0, %dma_start3A_71, %dma_start3A_72] : memref<2x10000x128xf32, #tpu.memory_space<hbm>> -> memref<1x10000x128xf32, #tpu.memory_space<hbm>>
        %dma_start3A_74 = tpu.memref_squeeze %dma_start3A_73 : memref<1x10000x128xf32, #tpu.memory_space<hbm>> -> memref<10000x128xf32, #tpu.memory_space<hbm>>
        %dma_start3A_75 = arith.constant 9984 : i32
        %dma_start3A_76 = arith.constant 0 : i32
        %dma_start3A_77 = tpu.memref_slice %dma_start3A_74[%dma_start3A_75, %dma_start3A_76] : memref<10000x128xf32, #tpu.memory_space<hbm>> -> memref<16x128xf32, #tpu.memory_space<hbm>>
        %dma_start3A_78 = arith.constant 9984 : i32
        %dma_start3A_79 = arith.constant 0 : i32
        %dma_start3A_80 = tpu.memref_slice %arg11[%dma_start3A_78, %dma_start3A_79] : memref<10000x128xf32, #tpu.memory_space<vmem_shared>> -> memref<16x128xf32, #tpu.memory_space<vmem_shared>>
        tpu.enqueue_dma source(%dma_start3A_80 : memref<16x128xf32, #tpu.memory_space<vmem_shared>>) target(%dma_start3A_77 : memref<16x128xf32, #tpu.memory_space<hbm>>) target_semaphore(%run_scoped3A_70 : memref<!tpu.dma_semaphore, #tpu.memory_space<semaphore_mem>>)
        %dma_wait3A_81 = arith.constant 0 : i32
        %dma_wait3A_82 = arith.constant 0 : i32
        %dma_wait3A_83 = tpu.memref_slice %arg6[%arg0, %dma_wait3A_81, %dma_wait3A_82] : memref<2x10000x128xf32, #tpu.memory_space<hbm>> -> memref<1x10000x128xf32, #tpu.memory_space<hbm>>
        %dma_wait3A_84 = tpu.memref_squeeze %dma_wait3A_83 : memref<1x10000x128xf32, #tpu.memory_space<hbm>> -> memref<10000x128xf32, #tpu.memory_space<hbm>>
        %dma_wait3A_85 = arith.constant 9984 : i32
        %dma_wait3A_86 = arith.constant 0 : i32
        %dma_wait3A_87 = tpu.memref_slice %dma_wait3A_84[%dma_wait3A_85, %dma_wait3A_86] : memref<10000x128xf32, #tpu.memory_space<hbm>> -> memref<16x128xf32, #tpu.memory_space<hbm>>
        %dma_wait3A_88 = arith.constant 9984 : i32
        %dma_wait3A_89 = arith.constant 0 : i32
        %dma_wait3A_90 = tpu.memref_slice %arg11[%dma_wait3A_88, %dma_wait3A_89] : memref<10000x128xf32, #tpu.memory_space<vmem_shared>> -> memref<16x128xf32, #tpu.memory_space<vmem_shared>>
        tpu.wait_dma2 semaphore(%run_scoped3A_70 : memref<!tpu.dma_semaphore, #tpu.memory_space<semaphore_mem>>) src(%dma_wait3A_90 : memref<16x128xf32, #tpu.memory_space<vmem_shared>>) dst(%dma_wait3A_87 : memref<16x128xf32, #tpu.memory_space<hbm>>)
        tpu.yield
      }) : () -> ()
    } else {
    }
    return
  }
}

module attributes {stable_mosaic.version = 14 : i64} {
  func.func @_dual_mm_body(%arg0: i32, %arg1: memref<2000x128xf32, #tpu.memory_space<vmem>>, %arg2: memref<128x128xf32, #tpu.memory_space<vmem>>, %arg3: memref<128x128xf32, #tpu.memory_space<vmem>>, %arg4: memref<2000x128xf32, #tpu.memory_space<vmem>>, %arg5: memref<2000x128xf32, #tpu.memory_space<vmem>>) attributes {dimension_semantics = [#tpu.dimension_semantics<arbitrary>], iteration_bounds = array<i64: 5>, scalar_prefetch = 0 : i64, scratch_operands = 0 : i64, tpu.core_type = #tpu.core_type<tc>, window_params = [{transform_indices = @transform_0, window_bounds = array<i64: 2000, 128>}, {pipeline_mode = #tpu.pipeline_mode<synchronous>, transform_indices = @transform_1, window_bounds = array<i64: 128, 128>}, {pipeline_mode = #tpu.pipeline_mode<synchronous>, transform_indices = @transform_2, window_bounds = array<i64: 128, 128>}, {transform_indices = @transform_3, window_bounds = array<i64: 2000, 128>}, {transform_indices = @transform_4, window_bounds = array<i64: 2000, 128>}]} {
    %get3A = arith.constant 0 : index
    %get3A_0 = arith.constant 0 : index
    %get3A_1 = vector.load %arg1[%get3A, %get3A_0] : memref<2000x128xf32, #tpu.memory_space<vmem>>, vector<2000x128xf32>
    %get3A_2 = arith.constant 0 : index
    %get3A_3 = arith.constant 0 : index
    %get3A_4 = vector.load %arg2[%get3A_2, %get3A_3] : memref<128x128xf32, #tpu.memory_space<vmem>>, vector<128x128xf32>
    %dot_general3A = arith.constant dense<0.000000e+00> : vector<2000x128xf32>
    %dot_general3A_5 = tpu.matmul %get3A_1, %get3A_4, %dot_general3A {dimension_numbers = #tpu.dot_dimension_numbers<[1], [1], [0], [0], [0, 0, 1, 0], [], []>, transpose_lhs_hint = false} : vector<2000x128xf32>, vector<128x128xf32>, vector<2000x128xf32> -> vector<2000x128xf32>
    %swap3A = arith.constant 0 : index
    %swap3A_6 = arith.constant 0 : index
    %swap3A_7 = vector.load %arg4[%swap3A, %swap3A_6] : memref<2000x128xf32, #tpu.memory_space<vmem>>, vector<2000x128xf32>
    tpu.vector_store %arg4[%swap3A, %swap3A_6], %dot_general3A_5 {strides = array<i32>} : memref<2000x128xf32, #tpu.memory_space<vmem>>, vector<2000x128xf32>,
    %get3A_8 = arith.constant 0 : index
    %get3A_9 = arith.constant 0 : index
    %get3A_10 = vector.load %arg3[%get3A_8, %get3A_9] : memref<128x128xf32, #tpu.memory_space<vmem>>, vector<128x128xf32>
    %dot_general3A_11 = arith.constant dense<0.000000e+00> : vector<2000x128xf32>
    %dot_general3A_12 = tpu.matmul %get3A_1, %get3A_10, %dot_general3A_11 {dimension_numbers = #tpu.dot_dimension_numbers<[1], [1], [0], [0], [0, 0, 1, 0], [], []>, transpose_lhs_hint = false} : vector<2000x128xf32>, vector<128x128xf32>, vector<2000x128xf32> -> vector<2000x128xf32>
    %swap3A_13 = arith.constant 0 : index
    %swap3A_14 = arith.constant 0 : index
    %swap3A_15 = vector.load %arg5[%swap3A_13, %swap3A_14] : memref<2000x128xf32, #tpu.memory_space<vmem>>, vector<2000x128xf32>
    tpu.vector_store %arg5[%swap3A_13, %swap3A_14], %dot_general3A_12 {strides = array<i32>} : memref<2000x128xf32, #tpu.memory_space<vmem>>, vector<2000x128xf32>,
    return
  }
  func.func @transform_0(%arg0: i32) -> (i32, i32) {
    %c0_i32 = arith.constant 0 : i32
    %c0_i32_0 = arith.constant 0 : i32
    return %arg0, %c0_i32 : i32, i32
  }
  func.func @transform_1(%arg0: i32) -> (i32, i32) {
    %c0_i32 = arith.constant 0 : i32
    %c0_i32_0 = arith.constant 0 : i32
    %c0_i32_1 = arith.constant 0 : i32
    return %c0_i32, %c0_i32_0 : i32, i32
  }
  func.func @transform_2(%arg0: i32) -> (i32, i32) {
    %c0_i32 = arith.constant 0 : i32
    %c0_i32_0 = arith.constant 0 : i32
    %c0_i32_1 = arith.constant 0 : i32
    return %c0_i32, %c0_i32_0 : i32, i32
  }
  func.func @transform_3(%arg0: i32) -> (i32, i32) {
    %c0_i32 = arith.constant 0 : i32
    %c0_i32_0 = arith.constant 0 : i32
    return %arg0, %c0_i32 : i32, i32
  }
  func.func @transform_4(%arg0: i32) -> (i32, i32) {
    %c0_i32 = arith.constant 0 : i32
    %c0_i32_0 = arith.constant 0 : i32
    return %arg0, %c0_i32 : i32, i32
  }
}

module attributes {stable_mosaic.version = 14 : i64} {
  func.func @_mid_body(%arg0: i32, %arg1: memref<2x2000x128xf32, #tpu.memory_space<vmem>>, %arg2: memref<2000x128xf32, #tpu.memory_space<vmem>>, %arg3: memref<1x128xf32, #tpu.memory_space<vmem>>, %arg4: memref<128x128xf32, #tpu.memory_space<vmem>>, %arg5: memref<128x128xf32, #tpu.memory_space<vmem>>, %arg6: memref<2000x128xf32, #tpu.memory_space<vmem>>, %arg7: memref<2000x128xf32, #tpu.memory_space<vmem>>) attributes {dimension_semantics = [#tpu.dimension_semantics<arbitrary>], iteration_bounds = array<i64: 5>, scalar_prefetch = 0 : i64, scratch_operands = 0 : i64, tpu.core_type = #tpu.core_type<tc>, window_params = [{transform_indices = @transform_0, window_bounds = array<i64: 2, 2000, 128>}, {transform_indices = @transform_1, window_bounds = array<i64: 2000, 128>}, {pipeline_mode = #tpu.pipeline_mode<synchronous>, transform_indices = @transform_2, window_bounds = array<i64: 1, 128>}, {pipeline_mode = #tpu.pipeline_mode<synchronous>, transform_indices = @transform_3, window_bounds = array<i64: 128, 128>}, {pipeline_mode = #tpu.pipeline_mode<synchronous>, transform_indices = @transform_4, window_bounds = array<i64: 128, 128>}, {transform_indices = @transform_5, window_bounds = array<i64: 2000, 128>}, {transform_indices = @transform_6, window_bounds = array<i64: 2000, 128>}]} {
    %get3A = arith.constant 0 : index
    %get3A_0 = arith.constant 0 : index
    %get3A_1 = arith.constant 0 : index
    %get3A_2 = vector.load %arg1[%get3A, %get3A_0, %get3A_1] : memref<2x2000x128xf32, #tpu.memory_space<vmem>>, vector<1x2000x128xf32>
    %get3A_3 = vector.shape_cast %get3A_2 : vector<1x2000x128xf32> to vector<2000x128xf32>
    %get3A_4 = arith.constant 1 : index
    %get3A_5 = arith.constant 0 : index
    %get3A_6 = arith.constant 0 : index
    %get3A_7 = vector.load %arg1[%get3A_4, %get3A_5, %get3A_6] : memref<2x2000x128xf32, #tpu.memory_space<vmem>>, vector<1x2000x128xf32>
    %get3A_8 = vector.shape_cast %get3A_7 : vector<1x2000x128xf32> to vector<2000x128xf32>
    %add3A = arith.addf %get3A_3, %get3A_8 : vector<2000x128xf32>
    %get3A_9 = arith.constant 0 : index
    %get3A_10 = arith.constant 0 : index
    %get3A_11 = vector.load %arg3[%get3A_9, %get3A_10] : memref<1x128xf32, #tpu.memory_space<vmem>>, vector<1x128xf32>
    %add3A_12 = vector.broadcast %get3A_11 : vector<1x128xf32> to vector<2000x128xf32>
    %add3A_13 = arith.addf %add3A, %add3A_12 : vector<2000x128xf32>
    %get3A_14 = arith.constant 0 : index
    %get3A_15 = arith.constant 0 : index
    %get3A_16 = vector.load %arg2[%get3A_14, %get3A_15] : memref<2000x128xf32, #tpu.memory_space<vmem>>, vector<2000x128xf32>
    %add3A_17 = arith.addf %add3A_13, %get3A_16 : vector<2000x128xf32>
    %max3A = arith.constant 0.000000e+00 : f32
    %max3A_18 = vector.broadcast %max3A : f32 to vector<2000x128xf32>
    %max3A_19 = arith.maximumf %add3A_17, %max3A_18 : vector<2000x128xf32>
    %get3A_20 = arith.constant 0 : index
    %get3A_21 = arith.constant 0 : index
    %get3A_22 = vector.load %arg4[%get3A_20, %get3A_21] : memref<128x128xf32, #tpu.memory_space<vmem>>, vector<128x128xf32>
    %dot_general3A = arith.constant dense<0.000000e+00> : vector<2000x128xf32>
    %dot_general3A_23 = tpu.matmul %max3A_19, %get3A_22, %dot_general3A {dimension_numbers = #tpu.dot_dimension_numbers<[1], [1], [0], [0], [0, 0, 1, 0], [], []>, transpose_lhs_hint = false} : vector<2000x128xf32>, vector<128x128xf32>, vector<2000x128xf32> -> vector<2000x128xf32>
    %swap3A = arith.constant 0 : index
    %swap3A_24 = arith.constant 0 : index
    %swap3A_25 = vector.load %arg6[%swap3A, %swap3A_24] : memref<2000x128xf32, #tpu.memory_space<vmem>>, vector<2000x128xf32>
    tpu.vector_store %arg6[%swap3A, %swap3A_24], %dot_general3A_23 {strides = array<i32>} : memref<2000x128xf32, #tpu.memory_space<vmem>>, vector<2000x128xf32>,
    %get3A_26 = arith.constant 0 : index
    %get3A_27 = arith.constant 0 : index
    %get3A_28 = vector.load %arg5[%get3A_26, %get3A_27] : memref<128x128xf32, #tpu.memory_space<vmem>>, vector<128x128xf32>
    %dot_general3A_29 = arith.constant dense<0.000000e+00> : vector<2000x128xf32>
    %dot_general3A_30 = tpu.matmul %max3A_19, %get3A_28, %dot_general3A_29 {dimension_numbers = #tpu.dot_dimension_numbers<[1], [1], [0], [0], [0, 0, 1, 0], [], []>, transpose_lhs_hint = false} : vector<2000x128xf32>, vector<128x128xf32>, vector<2000x128xf32> -> vector<2000x128xf32>
    %swap3A_31 = arith.constant 0 : index
    %swap3A_32 = arith.constant 0 : index
    %swap3A_33 = vector.load %arg7[%swap3A_31, %swap3A_32] : memref<2000x128xf32, #tpu.memory_space<vmem>>, vector<2000x128xf32>
    tpu.vector_store %arg7[%swap3A_31, %swap3A_32], %dot_general3A_30 {strides = array<i32>} : memref<2000x128xf32, #tpu.memory_space<vmem>>, vector<2000x128xf32>,
    return
  }
  func.func @transform_0(%arg0: i32) -> (i32, i32, i32) {
    %c0_i32 = arith.constant 0 : i32
    %c0_i32_0 = arith.constant 0 : i32
    %c0_i32_1 = arith.constant 0 : i32
    return %c0_i32, %arg0, %c0_i32_0 : i32, i32, i32
  }
  func.func @transform_1(%arg0: i32) -> (i32, i32) {
    %c0_i32 = arith.constant 0 : i32
    %c0_i32_0 = arith.constant 0 : i32
    return %arg0, %c0_i32 : i32, i32
  }
  func.func @transform_2(%arg0: i32) -> (i32, i32) {
    %c0_i32 = arith.constant 0 : i32
    %c0_i32_0 = arith.constant 0 : i32
    %c0_i32_1 = arith.constant 0 : i32
    return %c0_i32, %c0_i32_0 : i32, i32
  }
  func.func @transform_3(%arg0: i32) -> (i32, i32) {
    %c0_i32 = arith.constant 0 : i32
    %c0_i32_0 = arith.constant 0 : i32
    %c0_i32_1 = arith.constant 0 : i32
    return %c0_i32, %c0_i32_0 : i32, i32
  }
  func.func @transform_4(%arg0: i32) -> (i32, i32) {
    %c0_i32 = arith.constant 0 : i32
    %c0_i32_0 = arith.constant 0 : i32
    %c0_i32_1 = arith.constant 0 : i32
    return %c0_i32, %c0_i32_0 : i32, i32
  }
  func.func @transform_5(%arg0: i32) -> (i32, i32) {
    %c0_i32 = arith.constant 0 : i32
    %c0_i32_0 = arith.constant 0 : i32
    return %arg0, %c0_i32 : i32, i32
  }
  func.func @transform_6(%arg0: i32) -> (i32, i32) {
    %c0_i32 = arith.constant 0 : i32
    %c0_i32_0 = arith.constant 0 : i32
    return %arg0, %c0_i32 : i32, i32
  }
}

module attributes {stable_mosaic.version = 14 : i64} {
  func.func @_final_body(%arg0: i32, %arg1: memref<2x2000x128xf32, #tpu.memory_space<vmem>>, %arg2: memref<2000x128xf32, #tpu.memory_space<vmem>>, %arg3: memref<1x128xf32, #tpu.memory_space<vmem>>, %arg4: memref<2000x128xf32, #tpu.memory_space<vmem>>) attributes {dimension_semantics = [#tpu.dimension_semantics<arbitrary>], iteration_bounds = array<i64: 5>, scalar_prefetch = 0 : i64, scratch_operands = 0 : i64, tpu.core_type = #tpu.core_type<tc>, window_params = [{transform_indices = @transform_0, window_bounds = array<i64: 2, 2000, 128>}, {transform_indices = @transform_1, window_bounds = array<i64: 2000, 128>}, {pipeline_mode = #tpu.pipeline_mode<synchronous>, transform_indices = @transform_2, window_bounds = array<i64: 1, 128>}, {transform_indices = @transform_3, window_bounds = array<i64: 2000, 128>}]} {
    %get3A = arith.constant 0 : index
    %get3A_0 = arith.constant 0 : index
    %get3A_1 = arith.constant 0 : index
    %get3A_2 = vector.load %arg1[%get3A, %get3A_0, %get3A_1] : memref<2x2000x128xf32, #tpu.memory_space<vmem>>, vector<1x2000x128xf32>
    %get3A_3 = vector.shape_cast %get3A_2 : vector<1x2000x128xf32> to vector<2000x128xf32>
    %get3A_4 = arith.constant 1 : index
    %get3A_5 = arith.constant 0 : index
    %get3A_6 = arith.constant 0 : index
    %get3A_7 = vector.load %arg1[%get3A_4, %get3A_5, %get3A_6] : memref<2x2000x128xf32, #tpu.memory_space<vmem>>, vector<1x2000x128xf32>
    %get3A_8 = vector.shape_cast %get3A_7 : vector<1x2000x128xf32> to vector<2000x128xf32>
    %add3A = arith.addf %get3A_3, %get3A_8 : vector<2000x128xf32>
    %get3A_9 = arith.constant 0 : index
    %get3A_10 = arith.constant 0 : index
    %get3A_11 = vector.load %arg3[%get3A_9, %get3A_10] : memref<1x128xf32, #tpu.memory_space<vmem>>, vector<1x128xf32>
    %add3A_12 = vector.broadcast %get3A_11 : vector<1x128xf32> to vector<2000x128xf32>
    %add3A_13 = arith.addf %add3A, %add3A_12 : vector<2000x128xf32>
    %get3A_14 = arith.constant 0 : index
    %get3A_15 = arith.constant 0 : index
    %get3A_16 = vector.load %arg2[%get3A_14, %get3A_15] : memref<2000x128xf32, #tpu.memory_space<vmem>>, vector<2000x128xf32>
    %add3A_17 = arith.addf %add3A_13, %get3A_16 : vector<2000x128xf32>
    %swap3A = arith.constant 0 : index
    %swap3A_18 = arith.constant 0 : index
    %swap3A_19 = vector.load %arg4[%swap3A, %swap3A_18] : memref<2000x128xf32, #tpu.memory_space<vmem>>, vector<2000x128xf32>
    tpu.vector_store %arg4[%swap3A, %swap3A_18], %add3A_17 {strides = array<i32>} : memref<2000x128xf32, #tpu.memory_space<vmem>>, vector<2000x128xf32>,
    return
  }
  func.func @transform_0(%arg0: i32) -> (i32, i32, i32) {
    %c0_i32 = arith.constant 0 : i32
    %c0_i32_0 = arith.constant 0 : i32
    %c0_i32_1 = arith.constant 0 : i32
    return %c0_i32, %arg0, %c0_i32_0 : i32, i32, i32
  }
  func.func @transform_1(%arg0: i32) -> (i32, i32) {
    %c0_i32 = arith.constant 0 : i32
    %c0_i32_0 = arith.constant 0 : i32
    return %arg0, %c0_i32 : i32, i32
  }
  func.func @transform_2(%arg0: i32) -> (i32, i32) {
    %c0_i32 = arith.constant 0 : i32
    %c0_i32_0 = arith.constant 0 : i32
    %c0_i32_1 = arith.constant 0 : i32
    return %c0_i32, %c0_i32_0 : i32, i32
  }
  func.func @transform_3(%arg0: i32) -> (i32, i32) {
    %c0_i32 = arith.constant 0 : i32
    %c0_i32_0 = arith.constant 0 : i32
    return %arg0, %c0_i32 : i32, i32
  }
}

</mosaic_0001>

<sc_bundles>
// kernel: kernel.10.cloned.1.call-start
scs
__scs_entry_jumppad:
0x0: {  	(pc) =	sbr.rel $0x88, $3  }
0x1: {  	(tag) =	ssettag $0x0;
	lr =	simm.s32 $0x1  }
0x2: {  	[smem:$0x3F99] =	sst lr;
	_ =	strace $0xD0000000  }
0x3: {  	_ = 	snop  }
0x4: {  	_ = 	snop  }
0x5: {  	_ = 	snop  }
0x6: {  	_ = 	snop  }
0x7: {  	_ = 	snop  }
__scs_overlays_trampoline_lowered:
0x8: {  	[smem:$0x3FA8] =	sst s0  }
0x9: {  	[smem:$0x3FA9] =	sst s1  }
0xa: {  	[smem:$0x3FAA] =	sst s2  }
0xb: {  	[smem:$0x3FAB] =	sst s3  }
0xc: {  	[smem:$0x3FAC] =	sst s4  }
0xd: {  	[smem:$0x3FAD] =	sst s5  }
0xe: {  	[smem:$0x3FAE] =	sst s6  }
0xf: {  	[smem:$0x3FAF] =	sst s7  }
0x10: {  	[smem:$0x3FB0] =	sst s8  }
0x11: {  	[smem:$0x3FB1] =	sst s9;
	s0 =	simm.s32 @!p0 $0x0  }
0x12: {  	s1 =	sld [smem:$0x3F97];
	s0 =	simm.s32 @p0 $0x1  }
0x13: {  	[smem:$0x3FB2] =	sst s0;
	s0 =	simm.s32 @!p1 $0x0  }
0x14: {  	s2 =	sld [smem:$0x3F96];
	s0 =	simm.s32 @p1 $0x1  }
0x15: {  	[smem:$0x3FB3] =	sst s0;
	s0 =	simm.s32 @!p2 $0x0  }
0x16: {  	s3 =	sld [smem:$0x3FDB];
	s0 =	simm.s32 @p2 $0x1  }
0x17: {  	s4 =	simm.s32 $0x1BF5;
	[smem:$0x3FB5] =	sst s0  }
0x18: {  	s0 =	sld [smem:$0x3F98];
	_ =	swait.ge [sflag:s4], $0x0  }
0x19: {  	s7 =	sld [smem:$0x3F99]  }
0x1a: {  	s8 =	sadd.s32 $0xFFFFE003, lr  }
0x1b: {  	s9 =	sadd.s32 $0xFFFFFEF7, lr;
	s5 =	simm.s32 $0xFFFFFFFF;
	p2 =	slt.u32 s8, $0xFFFFF086  }
0x1c: {  	p1 =	slt.u32 s9, $0xF7A;
	s5 =	simm.s32 @!p2 $0x0  }
0x1d: {  	s5 =	simm.s32 @p1 $0x1;
	p0 =	seq.s32 s7, s2  }
0x1e: {  	s7 =	smul.u32 @!p0 $0xF7A, s2;
	p2 =	seq.s32 @!p0 s5, $0x0  }
0x1f: {  	s9 =	smul.u32 $0xF7A, s1;
	s8 =	simm.s32 @!p0 $0x1BF5;
	p2 =	por !p2, p0  }
0x20: {  	[sflag:s8] =	ssyncset.s32 @!p0 $0xFFFFF086;
	s6 =	sadd.s32 @!p0 s3, s7;
	s7 =	simm.s32 @!p0 $0x108  }
0x21: {  	s3 =	sadd.s32 s3, s9;
	s6 =	sadd.s32 @!p0 $0x88, s6;
	s7 =	simm.s32 @p2 $0x1082  }
0x22: {  	[simem:s7], [sflag:s8] =	dma.local @!p0 [hbm:s6], $0xF7A  }
0x23: {  	s9 =	sor.u32 $0xD0000000, s2;
	s6 =	simm.s32 $0x108;
	_ =	swait.ge @!p0 [sflag:s8], $0x0  }
0x24: {  	s3 =	sadd.s32 $0x88, s3;
	s6 =	simm.s32 @!p1 $0x1082;
	[sflag:s4] =	ssyncset.s32 $0xFFFFF086  }
0x25: {  	[simem:s6], [sflag:s4] =	dma.local [hbm:s3], $0xF7A  }
0x26: {  	[smem:$0x3F99] =	sst s1;
	(tag) =	ssettag s2;
	_ =	strace s9  }
0x27: {  	s1 =	sld [smem:$0x3FA9]  }
0x28: {  	s2 =	sld [smem:$0x3FAA]  }
0x29: {  	s4 =	sld [smem:$0x3FAC]  }
0x2a: {  	p0 =	seq.s32 s5, $0x0;
	s5 =	sld [smem:$0x3FAD]  }
0x2b: {  	s6 =	sld [smem:$0x3FAE]  }
0x2c: {  	s7 =	sld [smem:$0x3FAF]  }
0x2d: {  	s3 =	simm.s32 $0x108;
	s8 =	sld [smem:$0x3FB0]  }
0x2e: {  	s3 =	simm.s32 @!p0 $0x1082;
	s9 =	sld [smem:$0x3FB1]  }
0x2f: {  	lr =	sadd.s32 s0, s3;
	s0 =	sld [smem:$0x3FA8]  }
0x30: {  	s3 =	sld [smem:$0x3FAB]  }
0x31: {  	[smem:$0x3FB4] =	sst s10  }
0x32: {  	s10 =	sld [smem:$0x3FB2];
	_ =	sdelay $0x3  }
0x33: {  	p0 =	seq.s32 s10, $0x1;
	s10 =	sld [smem:$0x3FB4];
	_ =	sdelay $0x3  }
0x34: {  	[smem:$0x3FB4] =	sst s10  }
0x35: {  	s10 =	sld [smem:$0x3FB3];
	_ =	sdelay $0x3  }
0x36: {  	p1 =	seq.s32 s10, $0x1;
	s10 =	sld [smem:$0x3FB4];
	_ =	sdelay $0x3  }
0x37: {  	[smem:$0x3FB4] =	sst s10  }
0x38: {  	s10 =	sld [smem:$0x3FB5]  }
0x39: {  	_ = 	snop;
	(pc) =	sbr.ind lr, $3  }
0x3a: {  	_ = 	snop  }
0x3b: {  	_ = 	snop  }
0x3c: {  	p2 =	seq.s32 s10, $0x1;
	s10 =	sld [smem:$0x3FB4]  }
0x3d: {  	_ =	shalt  }
0x3e: {  	_ =	shalt  }
0x3f: {  	_ =	shalt  }
0x40: {  	_ =	shalt  }
0x41: {  	_ =	shalt  }
0x42: {  	_ =	shalt  }
0x43: {  	_ =	shalt  }
0x44: {  	_ =	shalt  }
0x45: {  	_ =	shalt  }
0x46: {  	_ =	shalt  }
0x47: {  	_ =	shalt  }
0x48: {  	_ =	shalt  }
0x49: {  	_ =	shalt  }
0x4a: {  	_ =	shalt  }
0x4b: {  	_ =	shalt  }
0x4c: {  	_ =	shalt  }
0x4d: {  	_ =	shalt  }
0x4e: {  	_ =	shalt  }
0x4f: {  	_ =	shalt  }
0x50: {  	_ =	shalt  }
0x51: {  	_ =	shalt  }
0x52: {  	_ =	shalt  }
0x53: {  	_ =	shalt  }
0x54: {  	_ =	shalt  }
0x55: {  	_ =	shalt  }
0x56: {  	_ =	shalt  }
0x57: {  	_ =	shalt  }
0x58: {  	_ =	shalt  }
0x59: {  	_ =	shalt  }
0x5a: {  	_ =	shalt  }
0x5b: {  	_ =	shalt  }
0x5c: {  	_ =	shalt  }
0x5d: {  	_ =	shalt  }
0x5e: {  	_ =	shalt  }
0x5f: {  	_ =	shalt  }
0x60: {  	_ =	shalt  }
0x61: {  	_ =	shalt  }
0x62: {  	_ =	shalt  }
0x63: {  	_ =	shalt  }
0x64: {  	_ =	shalt  }
0x65: {  	_ =	shalt  }
0x66: {  	_ =	shalt  }
0x67: {  	_ =	shalt  }
0x68: {  	_ =	shalt  }
0x69: {  	_ =	shalt  }
0x6a: {  	_ =	shalt  }
0x6b: {  	_ =	shalt  }
0x6c: {  	_ =	shalt  }
0x6d: {  	_ =	shalt  }
0x6e: {  	_ =	shalt  }
0x6f: {  	_ =	shalt  }
0x70: {  	_ =	shalt  }
0x71: {  	_ =	shalt  }
0x72: {  	_ =	shalt  }
0x73: {  	_ =	shalt  }
0x74: {  	_ =	shalt  }
0x75: {  	_ =	shalt  }
0x76: {  	_ =	shalt  }
0x77: {  	_ =	shalt  }
0x78: {  	_ =	shalt  }
0x79: {  	_ =	shalt  }
0x7a: {  	_ =	shalt  }
0x7b: {  	_ =	shalt  }
0x7c: {  	_ =	shalt  }
0x7d: {  	_ =	shalt  }
0x7e: {  	_ =	shalt  }
0x7f: {  	_ =	shalt  }
0x80: {  	_ =	shalt  }
0x81: {  	_ =	shalt  }
0x82: {  	_ =	shalt  }
0x83: {  	_ =	shalt  }
0x84: {  	_ =	shalt  }
0x85: {  	_ =	shalt  }
0x86: {  	_ =	shalt  }
0x87: {  	_ =	shalt  }
.Lfunc_end0:
.L_simem_size_0:
called_computation.1_lowered:
.L_overlay_start_0:
0x88: {  	s2 =	sld [smem:$0x3FD9]  }
0x89: {  	s3 =	sld [smem:$0x3FFE];
	_ =	sdelay $0x1  }
0x8a: {  	s1 =	srdreg.scid  }
0x8b: {  	s0 =	sand.u32 $0x1, s1  }
0x8c: {  	s17 =	sshll.u32 s0, $0xA;
	s2 =	sadd.s32 s3, s2  }
0x8d: {  	s2 =	sadd.s32 s2, s17  }
0x8e: {  	[smem:$0x3FC0] =	sst s2  }
0x8f: {  	_ = 	snop  }
0x90: {  	s2 =	sld [smem:$0x3FD0];
	(tm) =	ssettm $0x1  }
0x91: {  	s18 =	sld [smem:$0x3FFB];
	_ =	sdelay $0x3  }
0x92: {  	_ =	strace s18  }
0x93: {  	s3 =	sld [smem:$0x3FFC];
	_ =	sdelay $0x3  }
0x94: {  	_ =	strace s3  }
0x95: {  	s3 =	sld [smem:$0x3FFD];
	_ =	sdelay $0x3  }
0x96: {  	_ =	strace s3  }
0x97: {  	_ =	strace $0x8FFFFFFF  }
0x98: {  	s19 =	sld [smem:$0x3FDB];
	_ =	sdelay $0x1  }
0x99: {  	s4 =	simm.s32 $_scs_section_size  }
0x9a: {  	s5 =	simm.s32 $_size__tile_overlayer_lowered;
	s6 =	simm.s32 $_tile_overlayer_lowered  }
0x9b: {  	s22 =	simm.s32 $0x1BFF;
	s21 =	sshll.u32 s6, $0x1;
	s3 =	sadd.s32 s4, s19  }
0x9c: {  	s7 =	simm.s32 $0x0;
	s20 =	sshll.u32 s5, $0x1;
	s5 =	sadd.s32 s21, s3  }
0x9d: {  	[timem:s7], [sflag:s22] =	dma.local [hbm:s5], s20  }
0x9e: {  	_ =	swait.ge [sflag:s22], s20  }
0x9f: {  	s4 =	ssub.s32 $0x0, s20;
	[sflag:s22] =	ssyncset.done $0x0  }
0xa0: {  	[sflag:s22] =	ssyncadd.s32 s4;
	_ =	sdelay $0x1  }
0xa1: {  	s23 =	simm.s32 $0x1B8B  }
0xa2: {  	_ =	swait.ge [sflag:s23], $0x1  }
0xa3: {  	[sflag:s23] =	ssyncset.done $0x0  }
0xa4: {  	s25 =	simm.s32 $0x1B8E;
	s24 =	sld [smem:$0x3FFE];
	[sflag:s23] =	ssyncadd.s32 $0xFFFFFFFF  }
0xa5: {  	s26 =	simm.s32 $execute0_lowered;
	[smem:$0x3FD2] =	sst s25  }
0xa6: {  	s5 =	sshll.u32 s26, $0x1;
	_ =	strace $0x80000049;
	[dreg:$0x1] =	wrdreg $0xFFFFFFFF  }
0xa7: {  	s28 =	simm.s32 $_size_execute0_lowered;
	s3 =	sadd.s32 s3, s5;
	[dreg:$0x0] =	wrdreg $0x0  }
0xa8: {  	s5 =	sshll.u32 s28, $0x1;
	[dreg:$0x2] =	wrdreg s3  }
0xa9: {  	[dreg:$0x3] =	wrdreg s5  }
0xaa: {  	[dreg:$0x4] =	wrdreg $0xC0  }
0xab: {  	_ =	task [dreg:s7], $0x5FFFF  }
0xac: {  	[dreg:$0x1] =	wrdreg $0xFFFFFFFF  }
0xad: {  	[dreg:$0x0] =	wrdreg $0x60  }
0xae: {  	[dreg:$0x2] =	wrdreg s2  }
0xaf: {  	[dreg:$0x3] =	wrdreg s24  }
0xb0: {  	[dreg:$0x4] =	wrdreg $0xB7800  }
0xb1: {  	[dreg:$0x5] =	wrdreg $0x9  }
0xb2: {  	_ =	task.clear_ibuf [dreg:s7], $0x6FFFF;
	_ =	strace $0x90000049  }
0xb3: {  	s29 =	simm.s32 $0x9;
	_ =	strace $0x8000004B  }
0xb4: {  	_ =	swait.ge [sflag:s29], $0x1  }
0xb5: {  	[sflag:s29] =	ssyncadd.s32 $0xFFFFFFFF  }
0xb6: {  	_ =	strace $0x9000004B  }
0xb7: {  	_ =	sfence  }
0xb8: {  	s30 =	sld [smem:$0x0];
	_ =	sdelay $0x2  }
0xb9: {  	s31 =	sshll.u32 s1, $0xD;
	s1 =	sshrl.u32 s1, $0x2  }
0xba: {  	s3 =	sand.u32 $0x4000, s31;
	s1 =	sadd.s32 s1, s30  }
0xbb: {  	s0 =	sor.u32 s3, s0;
	s1 =	sshll.u32 s1, $0x11  }
0xbc: {  	s0 =	sor.u32 s1, s0  }
0xbd: {  	s0 =	sadd.s32 $0x8F2B, s0  }
0xbe: {  	[sflag:s0] =	ssyncadd.remote.s32 $0x1  }
0xbf: {  	_ =	sfence.sel $0xFFFF  }
0xc0: {  	[dreg:$0x0] =	wrdreg $0xFFFFFFFF;
	(pc) =	sbr.abs _section_cstart, $3  }
0xc1: {  	[dreg:$0x1] =	wrdreg $0xFFFFFFFF  }
0xc2: {  	_ =	task.clear_ibuf [dreg:s7], $0x2FFFF;
	_ =	strace $0x9FFFFFFF  }
0xc3: {  	(tm) =	ssettm $0x7FFFFFFF  }
tec
execute0_lowered:
.L_overlay_start_1:
0x0: {  	(tag) =	ssettag $0x1  }
0x1: {  	s1 =	srdreg.scid  }
0x2: {  	s13 =	stileid.u32;
	s0 =	rddreg [dreg:$0x0]  }
0x3: {  	s10 =	rddreg [dreg:$0x1];
	s18 =	simm.s32 $0x3;
	s19 =	simm.s32 $0x50  }
0x4: {  	s20 =	simm.s32 $0x6780;
	s21 =	simm.s32 $0x8F80;
	s22 =	simm.s32 $0x1  }
0x5: {  	s23 =	simm.s32 $0x4;
	s24 =	simm.s32 $0x2;
	s25 =	simm.s32 $0x6480  }
0x6: {  	s28 =	simm.s32 $0x6500;
	s29 =	simm.s32 $0x6580;
	s30 =	simm.s32 $0x0  }
0x7: {  	s1 =	sand.u32 $0x1, s1;
	s2 =	sshll.u32 s13, $0x1;
	s3 =	sshrl.u32 s13, $0x2  }
0x8: {  	s9 =	smul.u32 $0x4E000, s13;
	p0 =	sne.s32 s13, $0x0;
	s5 =	sor.u32 s1, s2  }
0x9: {  	s2 =	rddreg [dreg:$0x2];
	s4 =	smul.u32 $0x13C00, s3;
	s3 =	simm.s32 $0x0  }
0xa: {  	s7 =	smul.u32 $0x27100, s1;
	s1 =	ssub.s32 $0x2, s1;
	s6 =	sshll.u32 s5, $0x7  }
0xb: {  	[smem:$0x7FF] =	sst s3;
	s5 =	sshll.u32 s5, $0xB;
	s26 =	sshrl.u32 s1, $0x1  }
0xc: {  	s31 =	sshrl.u32 s9, $0x2;
	s17 =	sadd.s32 $0x138000, s2;
	s6 =	sand.u32 $0x380, s6  }
0xd: {  	_ =	strace $0x8000004A;
	s8 =	sadd.s32 s5, s10;
	s12 =	sadd.s32 s7, s10  }
0xe: {  	s1 =	ssub.s32 s1, s26;
	s16 =	sadd.s32 s31, s2;
	s4 =	sor.u32 s4, s6  }
0xf: {  	s7 =	sshll.u32 s13, $0x6;
	s6 =	sshrl.u32 s4, $0x3;
	s4 =	smul.u32 $0x2700, s13  }
0x10: {  	s17 =	sshrl.u32 @!p0 s17, $0x3;
	s26 =	simm.s32 $0x26C0;
	s9 =	sor.u32 $0x1C03, s7  }
0x11: {  	s16 =	sshrl.u32 s16, $0x3;
	s6 =	sadd.s32 s6, s10;
	s11 =	sadd.s32 s4, s10  }
0x12: {  	s5 =	sadd.s32 $0x11800, s6;
	s6 =	sadd.s32 $0x1800, s8;
	s10 =	sadd.s32 $0x42600, s10  }
0x13: {  	s8 =	sadd.s32 $0x1B600, s11;
	s11 =	sadd.s32 $0x42800, s12;
	s12 =	smax.u32 s1, $0x1  }
.LBB2_1:
0x14: {  	s1 =	simm.s32 $0x80;
	s13 =	simm.s32 $0x400  }
0x15: {  	[tilespmem:s3], [sflag:$0x3] =	stream.strided.gather [hbm4b:s5+s1], $0x2780, s13, s1, $0x38;
	[tilespmem:$0x1F000] =	vst v63  }
0x16: {  	s15 =	simm.s32 $0x2780;
	s1 =	simm.s32 @!p0 $0x3  }
0x17: {  	[tilespmem:s15], [sflag:$0x3] =	stream.linear.gather [hbm4b:s6+s3], $0x3E80, $0x38;
	[tilespmem:$0x1F000] =	vst v63  }
0x18: {  	[spmem:s16], [sflag:s9] =	dma.local [hbm:s8], $0x2700  }
0x19: {  	[spmem:s17], [sflag:s9] =	dma.local @!p0 [hbm:s10], $0x100  }
0x1a: {  	_ =	swait.ge @!p0 [sflag:s1], $0x100  }
0x1b: {  	[sflag:s1] =	ssyncset.done @!p0 $0x0  }
0x1c: {  	[sflag:s1] =	ssyncadd.s32 @!p0 $0xFFFFFF00  }
0x1d: {  	_ =	swait.ge [sflag:s18], $0x2780  }
0x1e: {  	[sflag:s18] =	ssyncset.done $0x0  }
0x1f: {  	[sflag:s18] =	ssyncadd.s32 $0xFFFFD880  }
0x20: {  	[tilespmem:s20], [sflag:$0x1] =	stream.indirect.gather [hbm4b:s0+s19], $0x80, s3, s19, $0xb8;
	[tilespmem:$0x1F000] =	vst v63  }
0x21: {  	_ = 	snop  }
0x22: {  	[tilespmem:s21], [sflag:$0x2] =	stream.indirect.gather [hbm4b:s0+s19], $0x80, s19, s19, $0xb8;
	[tilespmem:$0x1F000] =	vst v63  }
0x23: {  	_ =	swait.ge [sflag:s18], $0x3E80  }
0x24: {  	[sflag:s18] =	ssyncset.done $0x0  }
0x25: {  	[sflag:s18] =	ssyncadd.s32 $0xFFFFC180  }
0x26: {  	_ =	swait.ge [sflag:s18], $0x2700  }
0x27: {  	[sflag:s18] =	ssyncset.done $0x0  }
0x28: {  	[sflag:s18] =	ssyncadd.s32 $0xFFFFD900  }
0x29: {  	[bflag:$0x0] =	sbarrier.arrive $0xFFFF  }
0x2a: {  	_ =	swait.ge [sflag:s22], $0x2800  }
0x2b: {  	[sflag:s22] =	ssyncset.done $0x0  }
0x2c: {  	s13 =	simm.s32 $0x2780;
	[sflag:s22] =	ssyncadd.s32 $0xFFFFD800  }
0x2d: {  	[spmem:s2] =	stream.indirect.scatter.add.f32 [tilespmem:s20], [sflag:$0x4], $0x80, s13, s19, $0xb8;
	[tilespmem:$0x1F000] =	vst v63  }
0x2e: {  	_ =	swait.ge [sflag:s23], $0x2800  }
0x2f: {  	[sflag:s23] =	ssyncset.done $0x0  }
0x30: {  	s14 =	simm.s32 $0xA0;
	[sflag:s23] =	ssyncadd.s32 $0xFFFFD800  }
0x31: {  	[tilespmem:s20], [sflag:$0x1] =	stream.indirect.gather [hbm4b:s0+s19], $0x80, s14, s19, $0xb8;
	[tilespmem:$0x1F000] =	vst v63  }
0x32: {  	_ =	swait.ge [sflag:s24], $0x2800  }
0x33: {  	[sflag:s24] =	ssyncset.done $0x0  }
0x34: {  	s15 =	simm.s32 $0x2800;
	[sflag:s24] =	ssyncadd.s32 $0xFFFFD800  }
0x35: {  	[spmem:s2] =	stream.indirect.scatter.add.f32 [tilespmem:s21], [sflag:$0x4], $0x80, s15, s19, $0xb8;
	[tilespmem:$0x1F000] =	vst v63  }
0x36: {  	_ =	swait.ge [sflag:s23], $0x2800  }
0x37: {  	s31 =	simm.s32 $0xF0;
	[sflag:s23] =	ssyncset.done $0x0  }
0x38: {  	s1 =	simm.s32 $0x400;
	s13 =	simm.s32 $0x190;
	[sflag:s23] =	ssyncadd.s32 $0xFFFFD800  }
.LBB2_2:
0x39: {  	[tilespmem:s21], [sflag:$0x2] =	stream.indirect.gather [hbm4b:s0+s19], $0x80, s31, s19, $0xb8;
	[tilespmem:$0x1F000] =	vst v63  }
0x3a: {  	s14 =	smov.u32 s1;
	s31 =	smov.u32 s13  }
0x3b: {  	p1 =	sne.s32 s1, $0xF000;
	s1 =	sadd.s32 $0x400, s1;
	_ =	swait.ge [sflag:s22], $0x2800  }
0x3c: {  	s14 =	sshra.s32 s14, $0x2;
	[sflag:s22] =	ssyncset.done $0x0  }
0x3d: {  	s15 =	sadd.s32 $0x2780, s14;
	[sflag:s22] =	ssyncadd.s32 $0xFFFFD800  }
0x3e: {  	[spmem:s2] =	stream.indirect.scatter.add.f32 [tilespmem:s20], [sflag:$0x4], $0x80, s15, s19, $0xb8;
	[tilespmem:$0x1F000] =	vst v63  }
0x3f: {  	_ =	swait.ge [sflag:s23], $0x2800  }
0x40: {  	[sflag:s23] =	ssyncset.done $0x0  }
0x41: {  	s15 =	sadd.s32 $0xFFFFFFB0, s13;
	[sflag:s23] =	ssyncadd.s32 $0xFFFFD800  }
0x42: {  	[tilespmem:s20], [sflag:$0x1] =	stream.indirect.gather [hbm4b:s0+s19], $0x80, s15, s19, $0xb8;
	[tilespmem:$0x1F000] =	vst v63  }
0x43: {  	_ =	swait.ge [sflag:s24], $0x2800  }
0x44: {  	[sflag:s24] =	ssyncset.done $0x0  }
.Ltmp0:
0x45: {  	s14 =	sadd.s32 $0x2800, s14;
	[sflag:s24] =	ssyncadd.s32 $0xFFFFD800;
	(pc) =	sbr.rel @p1 .LBB2_2-.Ltmp0, $4  }
0x46: {  	[spmem:s2] =	stream.indirect.scatter.add.f32 [tilespmem:s21], [sflag:$0x4], $0x80, s14, s19, $0xb8;
	[tilespmem:$0x1F000] =	vst v63  }
0x47: {  	_ =	swait.ge [sflag:s23], $0x2800  }
0x48: {  	[sflag:s23] =	ssyncset.done $0x0  }
0x49: {  	s13 =	sadd.s32 $0xA0, s13;
	[sflag:s23] =	ssyncadd.s32 $0xFFFFD800  }
0x4a: {  	[tilespmem:s21], [sflag:$0x2] =	stream.indirect.gather [hbm4b:s0+s19], $0x80, s31, s19, $0xb8;
	[tilespmem:$0x1F000] =	vst v63  }
0x4b: {  	_ =	swait.ge [sflag:s22], $0x2800  }
0x4c: {  	[sflag:s22] =	ssyncset.done $0x0  }
0x4d: {  	[sflag:s22] =	ssyncadd.s32 $0xFFFFD800  }
0x4e: {  	[spmem:s2] =	stream.indirect.scatter.add.f32 [tilespmem:s20], [sflag:$0x4], $0x80, s25, s19, $0xb8;
	[tilespmem:$0x1F000] =	vst v63  }
0x4f: {  	_ =	swait.ge [sflag:s23], $0x2800  }
0x50: {  	[sflag:s23] =	ssyncset.done $0x0  }
0x51: {  	[sflag:s23] =	ssyncadd.s32 $0xFFFFD800  }
0x52: {  	[tilespmem:s20], [sflag:$0x1] =	stream.indirect.gather [hbm4b:s0+s19], $0x80, s26, s19, $0xb8;
	[tilespmem:$0x1F000] =	vst v63  }
0x53: {  	_ =	swait.ge [sflag:s24], $0x2800  }
0x54: {  	[sflag:s24] =	ssyncset.done $0x0  }
0x55: {  	[sflag:s24] =	ssyncadd.s32 $0xFFFFD800  }
0x56: {  	[spmem:s2] =	stream.indirect.scatter.add.f32 [tilespmem:s21], [sflag:$0x4], $0x80, s28, s19, $0xb8;
	[tilespmem:$0x1F000] =	vst v63  }
0x57: {  	_ =	swait.ge [sflag:s23], $0x2800  }
0x58: {  	[sflag:s23] =	ssyncset.done $0x0  }
0x59: {  	[sflag:s23] =	ssyncadd.s32 $0xFFFFD800  }
0x5a: {  	_ =	swait.ge [sflag:s22], $0x2800  }
0x5b: {  	[sflag:s22] =	ssyncset.done $0x0  }
0x5c: {  	[sflag:s22] =	ssyncadd.s32 $0xFFFFD800  }
0x5d: {  	[spmem:s2] =	stream.indirect.scatter.add.f32 [tilespmem:s20], [sflag:$0x4], $0x80, s29, s19, $0xb8;
	[tilespmem:$0x1F000] =	vst v63  }
0x5e: {  	_ =	swait.ge [sflag:s23], $0x2800  }
0x5f: {  	[sflag:s23] =	ssyncset.done $0x0  }
0x60: {  	[sflag:s23] =	ssyncadd.s32 $0xFFFFD800  }
0x61: {  	s1 =	sadd.s32 s4, s11;
	s13 =	sor.u32 $0x1C04, s7;
	[bflag:$0x0] =	sbarrier.arrive $0xFFFF  }
0x62: {  	[hbm:s1], [sflag:s13] =	dma.local [spmem:s16], $0x2700  }
0x63: {  	_ =	swait.ge [sflag:s23], $0x2700  }
0x64: {  	s30 =	sadd.s32 $0x1, s30;
	[sflag:s23] =	ssyncset.done $0x0  }
0x65: {  	p1 =	sne.s32 s30, s12;
	s1 =	sadd.s32 @!p0 $0x27000, s11;
	[sflag:s23] =	ssyncadd.s32 $0xFFFFD900  }
0x66: {  	[hbm:s1], [sflag:s13] =	dma.local @!p0 [spmem:s17], $0x100  }
.Ltmp1:
0x67: {  	_ = 	snop;
	(pc) =	sbr.rel @p1 .LBB2_1-.Ltmp1, $4  }
0x68: {  	s1 =	simm.s32 @!p0 $0x4  }
0x69: {  	_ =	swait.ge @!p0 [sflag:s1], $0x100  }
0x6a: {  	[sflag:s1] =	ssyncset.done @!p0 $0x0  }
0x6b: {  	[sflag:s1] =	ssyncadd.s32 @!p0 $0xFFFFFF00  }
0x6c: {  	_ =	sfence.sel $0x180000  }
0x6d: {  	[bflag:$0x0] =	sbarrier.arrive $0xFFFF  }
0x6e: {  	_ =	strace $0x9000004A  }
0x6f: {  	[bflag:$0x2] =	sbarrier.arrive $0xFFFF  }
0x70: {  	s0 =	rddreg [dreg:$0x3]  }
0x71: {  	s0 =	sadd.s32 @!p0 $0x100000, s0  }
0x72: {  	[sflag:s0] =	ssyncadd.tile.s32 @!p0 $0x1;
	_ =	shalt  }
.Lfunc_end2:
_tile_overlayer_lowered:
.L_overlay_start_2:
0x73: {  	(tag) =	ssettag $0x2  }
0x74: {  	s0 =	rddreg [dreg:$0x0];
	s2 =	stileid.u32  }
0x75: {  	s1 =	rddreg [dreg:$0x1];
	p0 =	sne.s32 s2, $0x0  }
0x76: {  	s3 =	rddreg [dreg:$0x2];
	[bflag:$0x3] =	sbarrier.arrive $0xFFFF;
	s2 =	simm.s32 @!p0 $0x1C04  }
0x77: {  	[timem:s3], [sflag:s2] =	dma.local @!p0 [hbm:s0], s1  }
0x78: {  	s0 =	simm.s32 @!p0 $0x4  }
0x79: {  	_ =	swait.ge @!p0 [sflag:s0], s1  }
0x7a: {  	s1 =	ssub.s32 @!p0 $0x0, s1;
	[sflag:s0] =	ssyncset.done @!p0 $0x0  }
0x7b: {  	[sflag:s0] =	ssyncadd.s32 @!p0 s1  }
0x7c: {  	[bflag:$0x3] =	sbarrier.arrive $0xFFFF  }
0x7d: {  	_ =	shalt  }

// kernel: kernel.7.cloned.1.call-start
scs
__scs_entry_jumppad:
0x0: {  	(pc) =	sbr.rel $0x88, $3  }
0x1: {  	(tag) =	ssettag $0x0;
	lr =	simm.s32 $0x1  }
0x2: {  	[smem:$0x3F99] =	sst lr;
	_ =	strace $0xD0000000  }
0x3: {  	_ = 	snop  }
0x4: {  	_ = 	snop  }
0x5: {  	_ = 	snop  }
0x6: {  	_ = 	snop  }
0x7: {  	_ = 	snop  }
__scs_overlays_trampoline_lowered:
0x8: {  	[smem:$0x3FA8] =	sst s0  }
0x9: {  	[smem:$0x3FA9] =	sst s1  }
0xa: {  	[smem:$0x3FAA] =	sst s2  }
0xb: {  	[smem:$0x3FAB] =	sst s3  }
0xc: {  	[smem:$0x3FAC] =	sst s4  }
0xd: {  	[smem:$0x3FAD] =	sst s5  }
0xe: {  	[smem:$0x3FAE] =	sst s6  }
0xf: {  	[smem:$0x3FAF] =	sst s7  }
0x10: {  	[smem:$0x3FB0] =	sst s8  }
0x11: {  	[smem:$0x3FB1] =	sst s9;
	s0 =	simm.s32 @!p0 $0x0  }
0x12: {  	s1 =	sld [smem:$0x3F97];
	s0 =	simm.s32 @p0 $0x1  }
0x13: {  	[smem:$0x3FB2] =	sst s0;
	s0 =	simm.s32 @!p1 $0x0  }
0x14: {  	s2 =	sld [smem:$0x3F96];
	s0 =	simm.s32 @p1 $0x1  }
0x15: {  	[smem:$0x3FB3] =	sst s0;
	s0 =	simm.s32 @!p2 $0x0  }
0x16: {  	s3 =	sld [smem:$0x3FDB];
	s0 =	simm.s32 @p2 $0x1  }
0x17: {  	s4 =	simm.s32 $0x1BF5;
	[smem:$0x3FB5] =	sst s0  }
0x18: {  	s0 =	sld [smem:$0x3F98];
	_ =	swait.ge [sflag:s4], $0x0  }
0x19: {  	s7 =	sld [smem:$0x3F99]  }
0x1a: {  	s8 =	sadd.s32 $0xFFFFE003, lr  }
0x1b: {  	s9 =	sadd.s32 $0xFFFFFEF7, lr;
	s5 =	simm.s32 $0xFFFFFFFF;
	p2 =	slt.u32 s8, $0xFFFFF086  }
0x1c: {  	p1 =	slt.u32 s9, $0xF7A;
	s5 =	simm.s32 @!p2 $0x0  }
0x1d: {  	s5 =	simm.s32 @p1 $0x1;
	p0 =	seq.s32 s7, s2  }
0x1e: {  	s7 =	smul.u32 @!p0 $0xF7A, s2;
	p2 =	seq.s32 @!p0 s5, $0x0  }
0x1f: {  	s9 =	smul.u32 $0xF7A, s1;
	s8 =	simm.s32 @!p0 $0x1BF5;
	p2 =	por !p2, p0  }
0x20: {  	[sflag:s8] =	ssyncset.s32 @!p0 $0xFFFFF086;
	s6 =	sadd.s32 @!p0 s3, s7;
	s7 =	simm.s32 @!p0 $0x108  }
0x21: {  	s3 =	sadd.s32 s3, s9;
	s6 =	sadd.s32 @!p0 $0x88, s6;
	s7 =	simm.s32 @p2 $0x1082  }
0x22: {  	[simem:s7], [sflag:s8] =	dma.local @!p0 [hbm:s6], $0xF7A  }
0x23: {  	s9 =	sor.u32 $0xD0000000, s2;
	s6 =	simm.s32 $0x108;
	_ =	swait.ge @!p0 [sflag:s8], $0x0  }
0x24: {  	s3 =	sadd.s32 $0x88, s3;
	s6 =	simm.s32 @!p1 $0x1082;
	[sflag:s4] =	ssyncset.s32 $0xFFFFF086  }
0x25: {  	[simem:s6], [sflag:s4] =	dma.local [hbm:s3], $0xF7A  }
0x26: {  	[smem:$0x3F99] =	sst s1;
	(tag) =	ssettag s2;
	_ =	strace s9  }
0x27: {  	s1 =	sld [smem:$0x3FA9]  }
0x28: {  	s2 =	sld [smem:$0x3FAA]  }
0x29: {  	s4 =	sld [smem:$0x3FAC]  }
0x2a: {  	p0 =	seq.s32 s5, $0x0;
	s5 =	sld [smem:$0x3FAD]  }
0x2b: {  	s6 =	sld [smem:$0x3FAE]  }
0x2c: {  	s7 =	sld [smem:$0x3FAF]  }
0x2d: {  	s3 =	simm.s32 $0x108;
	s8 =	sld [smem:$0x3FB0]  }
0x2e: {  	s3 =	simm.s32 @!p0 $0x1082;
	s9 =	sld [smem:$0x3FB1]  }
0x2f: {  	lr =	sadd.s32 s0, s3;
	s0 =	sld [smem:$0x3FA8]  }
0x30: {  	s3 =	sld [smem:$0x3FAB]  }
0x31: {  	[smem:$0x3FB4] =	sst s10  }
0x32: {  	s10 =	sld [smem:$0x3FB2];
	_ =	sdelay $0x3  }
0x33: {  	p0 =	seq.s32 s10, $0x1;
	s10 =	sld [smem:$0x3FB4];
	_ =	sdelay $0x3  }
0x34: {  	[smem:$0x3FB4] =	sst s10  }
0x35: {  	s10 =	sld [smem:$0x3FB3];
	_ =	sdelay $0x3  }
0x36: {  	p1 =	seq.s32 s10, $0x1;
	s10 =	sld [smem:$0x3FB4];
	_ =	sdelay $0x3  }
0x37: {  	[smem:$0x3FB4] =	sst s10  }
0x38: {  	s10 =	sld [smem:$0x3FB5]  }
0x39: {  	_ = 	snop;
	(pc) =	sbr.ind lr, $3  }
0x3a: {  	_ = 	snop  }
0x3b: {  	_ = 	snop  }
0x3c: {  	p2 =	seq.s32 s10, $0x1;
	s10 =	sld [smem:$0x3FB4]  }
0x3d: {  	_ =	shalt  }
0x3e: {  	_ =	shalt  }
0x3f: {  	_ =	shalt  }
0x40: {  	_ =	shalt  }
0x41: {  	_ =	shalt  }
0x42: {  	_ =	shalt  }
0x43: {  	_ =	shalt  }
0x44: {  	_ =	shalt  }
0x45: {  	_ =	shalt  }
0x46: {  	_ =	shalt  }
0x47: {  	_ =	shalt  }
0x48: {  	_ =	shalt  }
0x49: {  	_ =	shalt  }
0x4a: {  	_ =	shalt  }
0x4b: {  	_ =	shalt  }
0x4c: {  	_ =	shalt  }
0x4d: {  	_ =	shalt  }
0x4e: {  	_ =	shalt  }
0x4f: {  	_ =	shalt  }
0x50: {  	_ =	shalt  }
0x51: {  	_ =	shalt  }
0x52: {  	_ =	shalt  }
0x53: {  	_ =	shalt  }
0x54: {  	_ =	shalt  }
0x55: {  	_ =	shalt  }
0x56: {  	_ =	shalt  }
0x57: {  	_ =	shalt  }
0x58: {  	_ =	shalt  }
0x59: {  	_ =	shalt  }
0x5a: {  	_ =	shalt  }
0x5b: {  	_ =	shalt  }
0x5c: {  	_ =	shalt  }
0x5d: {  	_ =	shalt  }
0x5e: {  	_ =	shalt  }
0x5f: {  	_ =	shalt  }
0x60: {  	_ =	shalt  }
0x61: {  	_ =	shalt  }
0x62: {  	_ =	shalt  }
0x63: {  	_ =	shalt  }
0x64: {  	_ =	shalt  }
0x65: {  	_ =	shalt  }
0x66: {  	_ =	shalt  }
0x67: {  	_ =	shalt  }
0x68: {  	_ =	shalt  }
0x69: {  	_ =	shalt  }
0x6a: {  	_ =	shalt  }
0x6b: {  	_ =	shalt  }
0x6c: {  	_ =	shalt  }
0x6d: {  	_ =	shalt  }
0x6e: {  	_ =	shalt  }
0x6f: {  	_ =	shalt  }
0x70: {  	_ =	shalt  }
0x71: {  	_ =	shalt  }
0x72: {  	_ =	shalt  }
0x73: {  	_ =	shalt  }
0x74: {  	_ =	shalt  }
0x75: {  	_ =	shalt  }
0x76: {  	_ =	shalt  }
0x77: {  	_ =	shalt  }
0x78: {  	_ =	shalt  }
0x79: {  	_ =	shalt  }
0x7a: {  	_ =	shalt  }
0x7b: {  	_ =	shalt  }
0x7c: {  	_ =	shalt  }
0x7d: {  	_ =	shalt  }
0x7e: {  	_ =	shalt  }
0x7f: {  	_ =	shalt  }
0x80: {  	_ =	shalt  }
0x81: {  	_ =	shalt  }
0x82: {  	_ =	shalt  }
0x83: {  	_ =	shalt  }
0x84: {  	_ =	shalt  }
0x85: {  	_ =	shalt  }
0x86: {  	_ =	shalt  }
0x87: {  	_ =	shalt  }
.Lfunc_end0:
.L_simem_size_0:
called_computation_lowered:
.L_overlay_start_0:
0x88: {  	s2 =	sld [smem:$0x3FD9]  }
0x89: {  	s3 =	sld [smem:$0x3FFE];
	_ =	sdelay $0x1  }
0x8a: {  	s1 =	srdreg.scid  }
0x8b: {  	s0 =	sand.u32 $0x1, s1  }
0x8c: {  	s17 =	sshll.u32 s0, $0xA;
	s2 =	sadd.s32 s3, s2  }
0x8d: {  	s2 =	sadd.s32 s2, s17  }
0x8e: {  	[smem:$0x3FC0] =	sst s2  }
0x8f: {  	_ = 	snop  }
0x90: {  	s2 =	sld [smem:$0x3FD0];
	(tm) =	ssettm $0x1  }
0x91: {  	s18 =	sld [smem:$0x3FFB];
	_ =	sdelay $0x3  }
0x92: {  	_ =	strace s18  }
0x93: {  	s3 =	sld [smem:$0x3FFC];
	_ =	sdelay $0x3  }
0x94: {  	_ =	strace s3  }
0x95: {  	s3 =	sld [smem:$0x3FFD];
	_ =	sdelay $0x3  }
0x96: {  	_ =	strace s3  }
0x97: {  	_ =	strace $0x8FFFFFFF  }
0x98: {  	s19 =	sld [smem:$0x3FDB];
	_ =	sdelay $0x1  }
0x99: {  	s4 =	simm.s32 $_scs_section_size  }
0x9a: {  	s5 =	simm.s32 $_size__tile_overlayer_lowered;
	s6 =	simm.s32 $_tile_overlayer_lowered  }
0x9b: {  	s22 =	simm.s32 $0x1BFF;
	s21 =	sshll.u32 s6, $0x1;
	s3 =	sadd.s32 s4, s19  }
0x9c: {  	s7 =	simm.s32 $0x0;
	s20 =	sshll.u32 s5, $0x1;
	s5 =	sadd.s32 s21, s3  }
0x9d: {  	[timem:s7], [sflag:s22] =	dma.local [hbm:s5], s20  }
0x9e: {  	_ =	swait.ge [sflag:s22], s20  }
0x9f: {  	s4 =	ssub.s32 $0x0, s20;
	[sflag:s22] =	ssyncset.done $0x0  }
0xa0: {  	[sflag:s22] =	ssyncadd.s32 s4;
	_ =	sdelay $0x1  }
0xa1: {  	s23 =	simm.s32 $0x1B8B  }
0xa2: {  	_ =	swait.ge [sflag:s23], $0x1  }
0xa3: {  	[sflag:s23] =	ssyncset.done $0x0  }
0xa4: {  	s25 =	simm.s32 $0x1B8E;
	s24 =	sld [smem:$0x3FFE];
	[sflag:s23] =	ssyncadd.s32 $0xFFFFFFFF  }
0xa5: {  	s26 =	simm.s32 $execute0_lowered;
	[smem:$0x3FD2] =	sst s25  }
0xa6: {  	s5 =	sshll.u32 s26, $0x1;
	_ =	strace $0x80000046;
	[dreg:$0x1] =	wrdreg $0xFFFFFFFF  }
0xa7: {  	s28 =	simm.s32 $_size_execute0_lowered;
	s3 =	sadd.s32 s3, s5;
	[dreg:$0x0] =	wrdreg $0x0  }
0xa8: {  	s5 =	sshll.u32 s28, $0x1;
	[dreg:$0x2] =	wrdreg s3  }
0xa9: {  	[dreg:$0x3] =	wrdreg s5  }
0xaa: {  	[dreg:$0x4] =	wrdreg $0xC0  }
0xab: {  	_ =	task [dreg:s7], $0x5FFFF  }
0xac: {  	[dreg:$0x1] =	wrdreg $0xFFFFFFFF  }
0xad: {  	[dreg:$0x0] =	wrdreg $0x60  }
0xae: {  	[dreg:$0x2] =	wrdreg s2  }
0xaf: {  	[dreg:$0x3] =	wrdreg s24  }
0xb0: {  	[dreg:$0x4] =	wrdreg $0xB7800  }
0xb1: {  	[dreg:$0x5] =	wrdreg $0x9  }
0xb2: {  	_ =	task.clear_ibuf [dreg:s7], $0x6FFFF;
	_ =	strace $0x90000046  }
0xb3: {  	s29 =	simm.s32 $0x9;
	_ =	strace $0x80000048  }
0xb4: {  	_ =	swait.ge [sflag:s29], $0x1  }
0xb5: {  	[sflag:s29] =	ssyncadd.s32 $0xFFFFFFFF  }
0xb6: {  	_ =	strace $0x90000048  }
0xb7: {  	_ =	sfence  }
0xb8: {  	s30 =	sld [smem:$0x0];
	_ =	sdelay $0x2  }
0xb9: {  	s31 =	sshll.u32 s1, $0xD;
	s1 =	sshrl.u32 s1, $0x2  }
0xba: {  	s3 =	sand.u32 $0x4000, s31;
	s1 =	sadd.s32 s1, s30  }
0xbb: {  	s0 =	sor.u32 s3, s0;
	s1 =	sshll.u32 s1, $0x11  }
0xbc: {  	s0 =	sor.u32 s1, s0  }
0xbd: {  	s0 =	sadd.s32 $0x8F2B, s0  }
0xbe: {  	[sflag:s0] =	ssyncadd.remote.s32 $0x1  }
0xbf: {  	_ =	sfence.sel $0xFFFF  }
0xc0: {  	[dreg:$0x0] =	wrdreg $0xFFFFFFFF;
	(pc) =	sbr.abs _section_cstart, $3  }
0xc1: {  	[dreg:$0x1] =	wrdreg $0xFFFFFFFF  }
0xc2: {  	_ =	task.clear_ibuf [dreg:s7], $0x2FFFF;
	_ =	strace $0x9FFFFFFF  }
0xc3: {  	(tm) =	ssettm $0x7FFFFFFF  }
tec
execute0_lowered:
.L_overlay_start_1:
0x0: {  	(tag) =	ssettag $0x1  }
0x1: {  	s1 =	srdreg.scid  }
0x2: {  	s13 =	stileid.u32;
	s0 =	rddreg [dreg:$0x0]  }
0x3: {  	s10 =	rddreg [dreg:$0x1];
	s18 =	simm.s32 $0x3;
	s19 =	simm.s32 $0x50  }
0x4: {  	s20 =	simm.s32 $0x6780;
	s21 =	simm.s32 $0x8F80;
	s22 =	simm.s32 $0x1  }
0x5: {  	s23 =	simm.s32 $0x4;
	s24 =	simm.s32 $0x2;
	s25 =	simm.s32 $0x6480  }
0x6: {  	s28 =	simm.s32 $0x6500;
	s29 =	simm.s32 $0x6580;
	s30 =	simm.s32 $0x0  }
0x7: {  	s1 =	sand.u32 $0x1, s1;
	s2 =	sshll.u32 s13, $0x1;
	s3 =	sshrl.u32 s13, $0x2  }
0x8: {  	s9 =	smul.u32 $0x4E000, s13;
	p0 =	sne.s32 s13, $0x0;
	s5 =	sor.u32 s1, s2  }
0x9: {  	s2 =	rddreg [dreg:$0x2];
	s4 =	smul.u32 $0x13C00, s3;
	s3 =	simm.s32 $0x0  }
0xa: {  	s7 =	smul.u32 $0x27100, s1;
	s1 =	ssub.s32 $0x2, s1;
	s6 =	sshll.u32 s5, $0x7  }
0xb: {  	[smem:$0x7FF] =	sst s3;
	s5 =	sshll.u32 s5, $0xB;
	s26 =	sshrl.u32 s1, $0x1  }
0xc: {  	s31 =	sshrl.u32 s9, $0x2;
	s17 =	sadd.s32 $0x138000, s2;
	s6 =	sand.u32 $0x380, s6  }
0xd: {  	_ =	strace $0x80000047;
	s8 =	sadd.s32 s5, s10;
	s12 =	sadd.s32 s7, s10  }
0xe: {  	s1 =	ssub.s32 s1, s26;
	s16 =	sadd.s32 s31, s2;
	s4 =	sor.u32 s4, s6  }
0xf: {  	s7 =	sshll.u32 s13, $0x6;
	s6 =	sshrl.u32 s4, $0x3;
	s4 =	smul.u32 $0x2700, s13  }
0x10: {  	s17 =	sshrl.u32 @!p0 s17, $0x3;
	s26 =	simm.s32 $0x26C0;
	s9 =	sor.u32 $0x1C03, s7  }
0x11: {  	s16 =	sshrl.u32 s16, $0x3;
	s6 =	sadd.s32 s6, s10;
	s11 =	sadd.s32 s4, s10  }
0x12: {  	s5 =	sadd.s32 $0x11800, s6;
	s6 =	sadd.s32 $0x1800, s8;
	s10 =	sadd.s32 $0x42600, s10  }
0x13: {  	s8 =	sadd.s32 $0x1B600, s11;
	s11 =	sadd.s32 $0x42800, s12;
	s12 =	smax.u32 s1, $0x1  }
.LBB2_1:
0x14: {  	s1 =	simm.s32 $0x80;
	s13 =	simm.s32 $0x400  }
0x15: {  	[tilespmem:s3], [sflag:$0x3] =	stream.strided.gather [hbm4b:s5+s1], $0x2780, s13, s1, $0x38;
	[tilespmem:$0x1F000] =	vst v63  }
0x16: {  	s15 =	simm.s32 $0x2780;
	s1 =	simm.s32 @!p0 $0x3  }
0x17: {  	[tilespmem:s15], [sflag:$0x3] =	stream.linear.gather [hbm4b:s6+s3], $0x3E80, $0x38;
	[tilespmem:$0x1F000] =	vst v63  }
0x18: {  	[spmem:s16], [sflag:s9] =	dma.local [hbm:s8], $0x2700  }
0x19: {  	[spmem:s17], [sflag:s9] =	dma.local @!p0 [hbm:s10], $0x100  }
0x1a: {  	_ =	swait.ge @!p0 [sflag:s1], $0x100  }
0x1b: {  	[sflag:s1] =	ssyncset.done @!p0 $0x0  }
0x1c: {  	[sflag:s1] =	ssyncadd.s32 @!p0 $0xFFFFFF00  }
0x1d: {  	_ =	swait.ge [sflag:s18], $0x2780  }
0x1e: {  	[sflag:s18] =	ssyncset.done $0x0  }
0x1f: {  	[sflag:s18] =	ssyncadd.s32 $0xFFFFD880  }
0x20: {  	[tilespmem:s20], [sflag:$0x1] =	stream.indirect.gather [hbm4b:s0+s19], $0x80, s3, s19, $0xb8;
	[tilespmem:$0x1F000] =	vst v63  }
0x21: {  	_ = 	snop  }
0x22: {  	[tilespmem:s21], [sflag:$0x2] =	stream.indirect.gather [hbm4b:s0+s19], $0x80, s19, s19, $0xb8;
	[tilespmem:$0x1F000] =	vst v63  }
0x23: {  	_ =	swait.ge [sflag:s18], $0x3E80  }
0x24: {  	[sflag:s18] =	ssyncset.done $0x0  }
0x25: {  	[sflag:s18] =	ssyncadd.s32 $0xFFFFC180  }
0x26: {  	_ =	swait.ge [sflag:s18], $0x2700  }
0x27: {  	[sflag:s18] =	ssyncset.done $0x0  }
0x28: {  	[sflag:s18] =	ssyncadd.s32 $0xFFFFD900  }
0x29: {  	[bflag:$0x0] =	sbarrier.arrive $0xFFFF  }
0x2a: {  	_ =	swait.ge [sflag:s22], $0x2800  }
0x2b: {  	[sflag:s22] =	ssyncset.done $0x0  }
0x2c: {  	s13 =	simm.s32 $0x2780;
	[sflag:s22] =	ssyncadd.s32 $0xFFFFD800  }
0x2d: {  	[spmem:s2] =	stream.indirect.scatter.add.f32 [tilespmem:s20], [sflag:$0x4], $0x80, s13, s19, $0xb8;
	[tilespmem:$0x1F000] =	vst v63  }
0x2e: {  	_ =	swait.ge [sflag:s23], $0x2800  }
0x2f: {  	[sflag:s23] =	ssyncset.done $0x0  }
0x30: {  	s14 =	simm.s32 $0xA0;
	[sflag:s23] =	ssyncadd.s32 $0xFFFFD800  }
0x31: {  	[tilespmem:s20], [sflag:$0x1] =	stream.indirect.gather [hbm4b:s0+s19], $0x80, s14, s19, $0xb8;
	[tilespmem:$0x1F000] =	vst v63  }
0x32: {  	_ =	swait.ge [sflag:s24], $0x2800  }
0x33: {  	[sflag:s24] =	ssyncset.done $0x0  }
0x34: {  	s15 =	simm.s32 $0x2800;
	[sflag:s24] =	ssyncadd.s32 $0xFFFFD800  }
0x35: {  	[spmem:s2] =	stream.indirect.scatter.add.f32 [tilespmem:s21], [sflag:$0x4], $0x80, s15, s19, $0xb8;
	[tilespmem:$0x1F000] =	vst v63  }
0x36: {  	_ =	swait.ge [sflag:s23], $0x2800  }
0x37: {  	s31 =	simm.s32 $0xF0;
	[sflag:s23] =	ssyncset.done $0x0  }
0x38: {  	s1 =	simm.s32 $0x400;
	s13 =	simm.s32 $0x190;
	[sflag:s23] =	ssyncadd.s32 $0xFFFFD800  }
.LBB2_2:
0x39: {  	[tilespmem:s21], [sflag:$0x2] =	stream.indirect.gather [hbm4b:s0+s19], $0x80, s31, s19, $0xb8;
	[tilespmem:$0x1F000] =	vst v63  }
0x3a: {  	s14 =	smov.u32 s1;
	s31 =	smov.u32 s13  }
0x3b: {  	p1 =	sne.s32 s1, $0xF000;
	s1 =	sadd.s32 $0x400, s1;
	_ =	swait.ge [sflag:s22], $0x2800  }
0x3c: {  	s14 =	sshra.s32 s14, $0x2;
	[sflag:s22] =	ssyncset.done $0x0  }
0x3d: {  	s15 =	sadd.s32 $0x2780, s14;
	[sflag:s22] =	ssyncadd.s32 $0xFFFFD800  }
0x3e: {  	[spmem:s2] =	stream.indirect.scatter.add.f32 [tilespmem:s20], [sflag:$0x4], $0x80, s15, s19, $0xb8;
	[tilespmem:$0x1F000] =	vst v63  }
0x3f: {  	_ =	swait.ge [sflag:s23], $0x2800  }
0x40: {  	[sflag:s23] =	ssyncset.done $0x0  }
0x41: {  	s15 =	sadd.s32 $0xFFFFFFB0, s13;
	[sflag:s23] =	ssyncadd.s32 $0xFFFFD800  }
0x42: {  	[tilespmem:s20], [sflag:$0x1] =	stream.indirect.gather [hbm4b:s0+s19], $0x80, s15, s19, $0xb8;
	[tilespmem:$0x1F000] =	vst v63  }
0x43: {  	_ =	swait.ge [sflag:s24], $0x2800  }
0x44: {  	[sflag:s24] =	ssyncset.done $0x0  }
.Ltmp0:
0x45: {  	s14 =	sadd.s32 $0x2800, s14;
	[sflag:s24] =	ssyncadd.s32 $0xFFFFD800;
	(pc) =	sbr.rel @p1 .LBB2_2-.Ltmp0, $4  }
0x46: {  	[spmem:s2] =	stream.indirect.scatter.add.f32 [tilespmem:s21], [sflag:$0x4], $0x80, s14, s19, $0xb8;
	[tilespmem:$0x1F000] =	vst v63  }
0x47: {  	_ =	swait.ge [sflag:s23], $0x2800  }
0x48: {  	[sflag:s23] =	ssyncset.done $0x0  }
0x49: {  	s13 =	sadd.s32 $0xA0, s13;
	[sflag:s23] =	ssyncadd.s32 $0xFFFFD800  }
0x4a: {  	[tilespmem:s21], [sflag:$0x2] =	stream.indirect.gather [hbm4b:s0+s19], $0x80, s31, s19, $0xb8;
	[tilespmem:$0x1F000] =	vst v63  }
0x4b: {  	_ =	swait.ge [sflag:s22], $0x2800  }
0x4c: {  	[sflag:s22] =	ssyncset.done $0x0  }
0x4d: {  	[sflag:s22] =	ssyncadd.s32 $0xFFFFD800  }
0x4e: {  	[spmem:s2] =	stream.indirect.scatter.add.f32 [tilespmem:s20], [sflag:$0x4], $0x80, s25, s19, $0xb8;
	[tilespmem:$0x1F000] =	vst v63  }
0x4f: {  	_ =	swait.ge [sflag:s23], $0x2800  }
0x50: {  	[sflag:s23] =	ssyncset.done $0x0  }
0x51: {  	[sflag:s23] =	ssyncadd.s32 $0xFFFFD800  }
0x52: {  	[tilespmem:s20], [sflag:$0x1] =	stream.indirect.gather [hbm4b:s0+s19], $0x80, s26, s19, $0xb8;
	[tilespmem:$0x1F000] =	vst v63  }
0x53: {  	_ =	swait.ge [sflag:s24], $0x2800  }
0x54: {  	[sflag:s24] =	ssyncset.done $0x0  }
0x55: {  	[sflag:s24] =	ssyncadd.s32 $0xFFFFD800  }
0x56: {  	[spmem:s2] =	stream.indirect.scatter.add.f32 [tilespmem:s21], [sflag:$0x4], $0x80, s28, s19, $0xb8;
	[tilespmem:$0x1F000] =	vst v63  }
0x57: {  	_ =	swait.ge [sflag:s23], $0x2800  }
0x58: {  	[sflag:s23] =	ssyncset.done $0x0  }
0x59: {  	[sflag:s23] =	ssyncadd.s32 $0xFFFFD800  }
0x5a: {  	_ =	swait.ge [sflag:s22], $0x2800  }
0x5b: {  	[sflag:s22] =	ssyncset.done $0x0  }
0x5c: {  	[sflag:s22] =	ssyncadd.s32 $0xFFFFD800  }
0x5d: {  	[spmem:s2] =	stream.indirect.scatter.add.f32 [tilespmem:s20], [sflag:$0x4], $0x80, s29, s19, $0xb8;
	[tilespmem:$0x1F000] =	vst v63  }
0x5e: {  	_ =	swait.ge [sflag:s23], $0x2800  }
0x5f: {  	[sflag:s23] =	ssyncset.done $0x0  }
0x60: {  	[sflag:s23] =	ssyncadd.s32 $0xFFFFD800  }
0x61: {  	s1 =	sadd.s32 s4, s11;
	s13 =	sor.u32 $0x1C04, s7;
	[bflag:$0x0] =	sbarrier.arrive $0xFFFF  }
0x62: {  	[hbm:s1], [sflag:s13] =	dma.local [spmem:s16], $0x2700  }
0x63: {  	_ =	swait.ge [sflag:s23], $0x2700  }
0x64: {  	s30 =	sadd.s32 $0x1, s30;
	[sflag:s23] =	ssyncset.done $0x0  }
0x65: {  	p1 =	sne.s32 s30, s12;
	s1 =	sadd.s32 @!p0 $0x27000, s11;
	[sflag:s23] =	ssyncadd.s32 $0xFFFFD900  }
0x66: {  	[hbm:s1], [sflag:s13] =	dma.local @!p0 [spmem:s17], $0x100  }
.Ltmp1:
0x67: {  	_ = 	snop;
	(pc) =	sbr.rel @p1 .LBB2_1-.Ltmp1, $4  }
0x68: {  	s1 =	simm.s32 @!p0 $0x4  }
0x69: {  	_ =	swait.ge @!p0 [sflag:s1], $0x100  }
0x6a: {  	[sflag:s1] =	ssyncset.done @!p0 $0x0  }
0x6b: {  	[sflag:s1] =	ssyncadd.s32 @!p0 $0xFFFFFF00  }
0x6c: {  	_ =	sfence.sel $0x180000  }
0x6d: {  	[bflag:$0x0] =	sbarrier.arrive $0xFFFF  }
0x6e: {  	_ =	strace $0x90000047  }
0x6f: {  	[bflag:$0x2] =	sbarrier.arrive $0xFFFF  }
0x70: {  	s0 =	rddreg [dreg:$0x3]  }
0x71: {  	s0 =	sadd.s32 @!p0 $0x100000, s0  }
0x72: {  	[sflag:s0] =	ssyncadd.tile.s32 @!p0 $0x1;
	_ =	shalt  }
.Lfunc_end2:
_tile_overlayer_lowered:
.L_overlay_start_2:
0x73: {  	(tag) =	ssettag $0x2  }
0x74: {  	s0 =	rddreg [dreg:$0x0];
	s2 =	stileid.u32  }
0x75: {  	s1 =	rddreg [dreg:$0x1];
	p0 =	sne.s32 s2, $0x0  }
0x76: {  	s3 =	rddreg [dreg:$0x2];
	[bflag:$0x3] =	sbarrier.arrive $0xFFFF;
	s2 =	simm.s32 @!p0 $0x1C04  }
0x77: {  	[timem:s3], [sflag:s2] =	dma.local @!p0 [hbm:s0], s1  }
0x78: {  	s0 =	simm.s32 @!p0 $0x4  }
0x79: {  	_ =	swait.ge @!p0 [sflag:s0], s1  }
0x7a: {  	s1 =	ssub.s32 @!p0 $0x0, s1;
	[sflag:s0] =	ssyncset.done @!p0 $0x0  }
0x7b: {  	[sflag:s0] =	ssyncadd.s32 @!p0 s1  }
0x7c: {  	[bflag:$0x3] =	sbarrier.arrive $0xFFFF  }
0x7d: {  	_ =	shalt  }

</sc_bundles>
